<compile_context>
chip_gen: v7x
topology: tpu7x:2x2x1
jax: 0.10.2.dev20260603
libtpu: 0.0.44.dev20260713+nightly
codegen_flags: <defaults>
</compile_context>

<pallas_src>
import functools

import jax
import jax.numpy as jnp
from jax import lax
from jax.experimental import pallas as pl
from jax.experimental.pallas import tpu as pltpu
from jax.experimental.pallas import tpu_sc as plsc

NUM_EMB = 1000000
D = 32
BATCH = 4096
HIST = 50
TOTAL = BATCH * HIST

NC = 2
NS = 16
NW = NC * NS
PER_W = TOTAL // NW
CHUNK = 128
NCHUNK = PER_W // CHUNK
K = 10
NGROUP = NCHUNK // K
GROUP_ROWS = K * CHUNK


@functools.cache
def _build_kernel():
    mesh = plsc.VectorSubcoreMesh(
        core_axis_name="c", subcore_axis_name="s", num_cores=NC, num_subcores=NS
    )

    @functools.partial(
        pl.kernel,
        mesh=mesh,
        compiler_params=pltpu.CompilerParams(use_tc_tiling_on_sc=False),
        out_type=jax.ShapeDtypeStruct((TOTAL, D), jnp.float32),
        scratch_types=[
            pltpu.VMEM((NCHUNK, CHUNK), jnp.int32),
            pltpu.VMEM((2, GROUP_ROWS, D), jnp.float32),
            pltpu.SemaphoreType.DMA,
            pltpu.SemaphoreType.DMA,
            pltpu.SemaphoreType.DMA,
            pltpu.SemaphoreType.DMA,
        ],
    )
    def _emb_lookup(
        idx_hbm, w_hbm, out_hbm, idx_v, rows_v, gsem0, gsem1, wsem0, wsem1
    ):
        wid = lax.axis_index("s") * NC + lax.axis_index("c")
        base = wid * PER_W
        gsems = (gsem0, gsem1)
        wsems = (wsem0, wsem1)

        pltpu.sync_copy(idx_hbm.at[wid], idx_v)

        def fire_gathers(g, slot):
            for j in range(K):
                pltpu.async_copy(
                    w_hbm.at[idx_v.at[g * K + j]],
                    rows_v.at[slot, pl.ds(j * CHUNK, CHUNK)],
                    gsems[slot],
                )

        def drain_gathers(slot):
            pltpu.make_async_copy(
                w_hbm.at[pl.ds(0, GROUP_ROWS)], rows_v.at[slot], gsems[slot]
            ).wait()

        def fire_write(g, slot):
            pltpu.async_copy(
                rows_v.at[slot],
                out_hbm.at[pl.ds(base + g * GROUP_ROWS, GROUP_ROWS)],
                wsems[slot],
            )

        def drain_write(slot):
            pltpu.make_async_copy(
                rows_v.at[slot],
                out_hbm.at[pl.ds(base, GROUP_ROWS)],
                wsems[slot],
            ).wait()

        def per_slot(g, fn):
            pl.when(g % 2 == 0)(lambda: fn(0))
            pl.when(g % 2 == 1)(lambda: fn(1))

        fire_gathers(0, 0)

        def group_body(g, carry):
            pl.when(g >= 2)(lambda: per_slot(g, drain_write))
            per_slot(g, lambda s: fire_gathers(g, s))
            per_slot(g - 1, drain_gathers)
            per_slot(g - 1, lambda s: fire_write(g - 1, s))
            return carry

        lax.fori_loop(1, NGROUP, group_body, 0)

        last = NGROUP - 1
        per_slot(last, drain_gathers)
        per_slot(last, lambda s: fire_write(last, s))
        per_slot(last - 1, drain_write)
        per_slot(last, drain_write)

    return _emb_lookup


def kernel(input, weight):
    idx = input.astype(jnp.int32).reshape(NW, NCHUNK, CHUNK)
    out = _build_kernel()(idx, weight)
    return out.reshape(BATCH, HIST, D)

# --- scband reference (transcript-rebuilt; emitter-appended) ---
"""Pipeline reference for scband-dpembedding-9070970929159 (READ-ONLY COPY).

The authoritative reference and input builder live on the scoring server;
editing this copy changes nothing except your own understanding.
"""

import jax, jax.numpy as jnp
import numpy as np

NUM_EMBEDDINGS = 1000000
EMBEDDING_DIM = 32
BATCH = 4096
HIST_LEN = 50


def setup_inputs(seed: int = 0) -> dict:
    key = jax.random.key(seed)
    k_idx, k_w = jax.random.split(key)
    indices = jax.random.randint(k_idx, (BATCH, HIST_LEN), 0, NUM_EMBEDDINGS, dtype=jnp.int64 if jax.config.jax_enable_x64 else jnp.int32)
    weight = jax.random.normal(k_w, (NUM_EMBEDDINGS, EMBEDDING_DIM), dtype=jnp.float32)
    return {"input": indices, "weight": weight}


def reference(input, weight):
    # DPEmbedding.forward -> F.embedding(input, weight) with no padding_idx,
    # no max_norm, no scale_grad_by_freq: pure gather of rows.
    return jnp.take(weight, input, axis=0)

if __name__ == "__main__":
    import jax
    _d = setup_inputs()
    print(jax.jit(kernel)(*tuple(_d.values())))

</pallas_src>

<mosaic_0001>
#map = affine_map<(d0, d1) -> (0, 0, 0)>
#map1 = affine_map<(d0, d1) -> (0, 0)>
module attributes {stable_mosaic.version = 14 : i64} {
  func.func @_emb_lookup(%arg0: i32, %arg1: i32, %arg2: memref<32x50x128xi32, #tpu.memory_space<hbm>>, %arg3: memref<1000000x32xf32, #tpu.memory_space<hbm>>, %arg4: memref<204800x32xf32, #tpu.memory_space<hbm>>, %arg5: memref<50x128xi32, #tpu.memory_space<vmem>>, %arg6: memref<2x1280x32xf32, #tpu.memory_space<vmem>>, %arg7: memref<!tpu.dma_semaphore, #tpu.memory_space<semaphore_mem>>, %arg8: memref<!tpu.dma_semaphore, #tpu.memory_space<semaphore_mem>>, %arg9: memref<!tpu.dma_semaphore, #tpu.memory_space<semaphore_mem>>, %arg10: memref<!tpu.dma_semaphore, #tpu.memory_space<semaphore_mem>>) attributes {dimension_semantics = [#tpu.dimension_semantics<core_parallel>, #tpu.dimension_semantics<subcore_parallel>], iteration_bounds = array<i64: 2, 16>, scalar_prefetch = 0 : i64, scratch_operands = 6 : i64, tpu.core_type = #tpu.core_type<sc_vector_subcore>, window_params = [{transform_indices = #map}, {transform_indices = #map1}, {transform_indices = #map1}]} {
    %mul3A = arith.constant 2 : i32
    %mul3A_0 = arith.muli %arg1, %mul3A : i32
    %add3A = arith.addi %mul3A_0, %arg0 : i32
    %mul3A_1 = arith.constant 6400 : i32
    %mul3A_2 = arith.muli %add3A, %mul3A_1 : i32
    "tpu.region"() ({
      %run_scoped3A = tpu.sem_alloc : memref<!tpu.dma_semaphore, #tpu.memory_space<semaphore_mem>>
      %dma_start3A_182 = arith.constant 0 : i32
      %dma_start3A_183 = arith.constant 0 : i32
      %dma_start3A_184 = tpu.memref_slice %arg2[%add3A, %dma_start3A_182, %dma_start3A_183] : memref<32x50x128xi32, #tpu.memory_space<hbm>> -> memref<1x50x128xi32, #tpu.memory_space<hbm>>
      %dma_start3A_185 = tpu.memref_squeeze %dma_start3A_184 : memref<1x50x128xi32, #tpu.memory_space<hbm>> -> memref<50x128xi32, #tpu.memory_space<hbm>>
      %dma_start3A_186 = arith.constant 0 : i32
      %dma_start3A_187 = arith.constant 0 : i32
      %dma_start3A_188 = tpu.memref_slice %arg2[%add3A, %dma_start3A_186, %dma_start3A_187] : memref<32x50x128xi32, #tpu.memory_space<hbm>> -> memref<1x50x128xi32, #tpu.memory_space<hbm>>
      %dma_start3A_189 = tpu.memref_squeeze %dma_start3A_188 : memref<1x50x128xi32, #tpu.memory_space<hbm>> -> memref<50x128xi32, #tpu.memory_space<hbm>>
      tpu.enqueue_dma source(%dma_start3A_189 : memref<50x128xi32, #tpu.memory_space<hbm>>) target(%arg5 : memref<50x128xi32, #tpu.memory_space<vmem>>) target_semaphore(%run_scoped3A : memref<!tpu.dma_semaphore, #tpu.memory_space<semaphore_mem>>)
      %dma_wait3A_190 = arith.constant 0 : i32
      %dma_wait3A_191 = arith.constant 0 : i32
      %dma_wait3A_192 = tpu.memref_slice %arg2[%add3A, %dma_wait3A_190, %dma_wait3A_191] : memref<32x50x128xi32, #tpu.memory_space<hbm>> -> memref<1x50x128xi32, #tpu.memory_space<hbm>>
      %dma_wait3A_193 = tpu.memref_squeeze %dma_wait3A_192 : memref<1x50x128xi32, #tpu.memory_space<hbm>> -> memref<50x128xi32, #tpu.memory_space<hbm>>
      %dma_wait3A_194 = arith.constant 0 : i32
      %dma_wait3A_195 = arith.constant 0 : i32
      %dma_wait3A_196 = tpu.memref_slice %arg2[%add3A, %dma_wait3A_194, %dma_wait3A_195] : memref<32x50x128xi32, #tpu.memory_space<hbm>> -> memref<1x50x128xi32, #tpu.memory_space<hbm>>
      %dma_wait3A_197 = tpu.memref_squeeze %dma_wait3A_196 : memref<1x50x128xi32, #tpu.memory_space<hbm>> -> memref<50x128xi32, #tpu.memory_space<hbm>>
      tpu.wait_dma2 semaphore(%run_scoped3A : memref<!tpu.dma_semaphore, #tpu.memory_space<semaphore_mem>>) src(%dma_wait3A_197 : memref<50x128xi32, #tpu.memory_space<hbm>>) dst(%arg5 : memref<50x128xi32, #tpu.memory_space<vmem>>)
      tpu.yield
    }) : () -> ()
    %dma_start3A = arith.constant 0 : i32
    %dma_start3A_3 = arith.constant 0 : i32
    %dma_start3A_4 = arith.constant 0 : i32
    %dma_start3A_5 = arith.constant 0 : i32
    %dma_start3A_6 = tpu.memref_slice %arg6[%dma_start3A_3, %dma_start3A_4, %dma_start3A_5] : memref<2x1280x32xf32, #tpu.memory_space<vmem>> -> memref<1x128x32xf32, #tpu.memory_space<vmem>>
    %dma_start3A_7 = tpu.memref_squeeze %dma_start3A_6 : memref<1x128x32xf32, #tpu.memory_space<vmem>> -> memref<128x32xf32, #tpu.memory_space<vmem>>
    %dma_start3A_8 = arith.constant 0 : i32
    %dma_start3A_9 = tpu.memref_slice %arg5[%dma_start3A, %dma_start3A_8] : memref<50x128xi32, #tpu.memory_space<vmem>> -> memref<1x128xi32, #tpu.memory_space<vmem>>
    %dma_start3A_10 = tpu.memref_squeeze %dma_start3A_9 : memref<1x128xi32, #tpu.memory_space<vmem>> -> memref<128xi32, #tpu.memory_space<vmem>>
    %dma_start3A_11 = arith.constant 0 : i32
    %dma_start3A_12 = arith.constant 0 : i32
    %dma_start3A_13 = tpu.memref_slice %arg3[%dma_start3A_11, %dma_start3A_12] : memref<1000000x32xf32, #tpu.memory_space<hbm>> -> memref<1000000x32xf32, #tpu.memory_space<hbm>>
    tpu.enqueue_indirect_dma source(%dma_start3A_13 : memref<1000000x32xf32, #tpu.memory_space<hbm>>) target(%dma_start3A_7 : memref<128x32xf32, #tpu.memory_space<vmem>>) offsets(%dma_start3A_10 : memref<128xi32, #tpu.memory_space<vmem>>) semaphore(%arg7 : memref<!tpu.dma_semaphore, #tpu.memory_space<semaphore_mem>>)
    %dma_start3A_14 = arith.constant 1 : i32
    %dma_start3A_15 = arith.constant 0 : i32
    %dma_start3A_16 = arith.constant 128 : i32
    %dma_start3A_17 = arith.constant 0 : i32
    %dma_start3A_18 = tpu.memref_slice %arg6[%dma_start3A_15, %dma_start3A_16, %dma_start3A_17] : memref<2x1280x32xf32, #tpu.memory_space<vmem>> -> memref<1x128x32xf32, #tpu.memory_space<vmem>>
    %dma_start3A_19 = tpu.memref_squeeze %dma_start3A_18 : memref<1x128x32xf32, #tpu.memory_space<vmem>> -> memref<128x32xf32, #tpu.memory_space<vmem>>
    %dma_start3A_20 = arith.constant 0 : i32
    %dma_start3A_21 = tpu.memref_slice %arg5[%dma_start3A_14, %dma_start3A_20] : memref<50x128xi32, #tpu.memory_space<vmem>> -> memref<1x128xi32, #tpu.memory_space<vmem>>
    %dma_start3A_22 = tpu.memref_squeeze %dma_start3A_21 : memref<1x128xi32, #tpu.memory_space<vmem>> -> memref<128xi32, #tpu.memory_space<vmem>>
    %dma_start3A_23 = arith.constant 0 : i32
    %dma_start3A_24 = arith.constant 0 : i32
    %dma_start3A_25 = tpu.memref_slice %arg3[%dma_start3A_23, %dma_start3A_24] : memref<1000000x32xf32, #tpu.memory_space<hbm>> -> memref<1000000x32xf32, #tpu.memory_space<hbm>>
    tpu.enqueue_indirect_dma source(%dma_start3A_25 : memref<1000000x32xf32, #tpu.memory_space<hbm>>) target(%dma_start3A_19 : memref<128x32xf32, #tpu.memory_space<vmem>>) offsets(%dma_start3A_22 : memref<128xi32, #tpu.memory_space<vmem>>) semaphore(%arg7 : memref<!tpu.dma_semaphore, #tpu.memory_space<semaphore_mem>>)
    %dma_start3A_26 = arith.constant 2 : i32
    %dma_start3A_27 = arith.constant 0 : i32
    %dma_start3A_28 = arith.constant 256 : i32
    %dma_start3A_29 = arith.constant 0 : i32
    %dma_start3A_30 = tpu.memref_slice %arg6[%dma_start3A_27, %dma_start3A_28, %dma_start3A_29] : memref<2x1280x32xf32, #tpu.memory_space<vmem>> -> memref<1x128x32xf32, #tpu.memory_space<vmem>>
    %dma_start3A_31 = tpu.memref_squeeze %dma_start3A_30 : memref<1x128x32xf32, #tpu.memory_space<vmem>> -> memref<128x32xf32, #tpu.memory_space<vmem>>
    %dma_start3A_32 = arith.constant 0 : i32
    %dma_start3A_33 = tpu.memref_slice %arg5[%dma_start3A_26, %dma_start3A_32] : memref<50x128xi32, #tpu.memory_space<vmem>> -> memref<1x128xi32, #tpu.memory_space<vmem>>
    %dma_start3A_34 = tpu.memref_squeeze %dma_start3A_33 : memref<1x128xi32, #tpu.memory_space<vmem>> -> memref<128xi32, #tpu.memory_space<vmem>>
    %dma_start3A_35 = arith.constant 0 : i32
    %dma_start3A_36 = arith.constant 0 : i32
    %dma_start3A_37 = tpu.memref_slice %arg3[%dma_start3A_35, %dma_start3A_36] : memref<1000000x32xf32, #tpu.memory_space<hbm>> -> memref<1000000x32xf32, #tpu.memory_space<hbm>>
    tpu.enqueue_indirect_dma source(%dma_start3A_37 : memref<1000000x32xf32, #tpu.memory_space<hbm>>) target(%dma_start3A_31 : memref<128x32xf32, #tpu.memory_space<vmem>>) offsets(%dma_start3A_34 : memref<128xi32, #tpu.memory_space<vmem>>) semaphore(%arg7 : memref<!tpu.dma_semaphore, #tpu.memory_space<semaphore_mem>>)
    %dma_start3A_38 = arith.constant 3 : i32
    %dma_start3A_39 = arith.constant 0 : i32
    %dma_start3A_40 = arith.constant 384 : i32
    %dma_start3A_41 = arith.constant 0 : i32
    %dma_start3A_42 = tpu.memref_slice %arg6[%dma_start3A_39, %dma_start3A_40, %dma_start3A_41] : memref<2x1280x32xf32, #tpu.memory_space<vmem>> -> memref<1x128x32xf32, #tpu.memory_space<vmem>>
    %dma_start3A_43 = tpu.memref_squeeze %dma_start3A_42 : memref<1x128x32xf32, #tpu.memory_space<vmem>> -> memref<128x32xf32, #tpu.memory_space<vmem>>
    %dma_start3A_44 = arith.constant 0 : i32
    %dma_start3A_45 = tpu.memref_slice %arg5[%dma_start3A_38, %dma_start3A_44] : memref<50x128xi32, #tpu.memory_space<vmem>> -> memref<1x128xi32, #tpu.memory_space<vmem>>
    %dma_start3A_46 = tpu.memref_squeeze %dma_start3A_45 : memref<1x128xi32, #tpu.memory_space<vmem>> -> memref<128xi32, #tpu.memory_space<vmem>>
    %dma_start3A_47 = arith.constant 0 : i32
    %dma_start3A_48 = arith.constant 0 : i32
    %dma_start3A_49 = tpu.memref_slice %arg3[%dma_start3A_47, %dma_start3A_48] : memref<1000000x32xf32, #tpu.memory_space<hbm>> -> memref<1000000x32xf32, #tpu.memory_space<hbm>>
    tpu.enqueue_indirect_dma source(%dma_start3A_49 : memref<1000000x32xf32, #tpu.memory_space<hbm>>) target(%dma_start3A_43 : memref<128x32xf32, #tpu.memory_space<vmem>>) offsets(%dma_start3A_46 : memref<128xi32, #tpu.memory_space<vmem>>) semaphore(%arg7 : memref<!tpu.dma_semaphore, #tpu.memory_space<semaphore_mem>>)
    %dma_start3A_50 = arith.constant 4 : i32
    %dma_start3A_51 = arith.constant 0 : i32
    %dma_start3A_52 = arith.constant 512 : i32
    %dma_start3A_53 = arith.constant 0 : i32
    %dma_start3A_54 = tpu.memref_slice %arg6[%dma_start3A_51, %dma_start3A_52, %dma_start3A_53] : memref<2x1280x32xf32, #tpu.memory_space<vmem>> -> memref<1x128x32xf32, #tpu.memory_space<vmem>>
    %dma_start3A_55 = tpu.memref_squeeze %dma_start3A_54 : memref<1x128x32xf32, #tpu.memory_space<vmem>> -> memref<128x32xf32, #tpu.memory_space<vmem>>
    %dma_start3A_56 = arith.constant 0 : i32
    %dma_start3A_57 = tpu.memref_slice %arg5[%dma_start3A_50, %dma_start3A_56] : memref<50x128xi32, #tpu.memory_space<vmem>> -> memref<1x128xi32, #tpu.memory_space<vmem>>
    %dma_start3A_58 = tpu.memref_squeeze %dma_start3A_57 : memref<1x128xi32, #tpu.memory_space<vmem>> -> memref<128xi32, #tpu.memory_space<vmem>>
    %dma_start3A_59 = arith.constant 0 : i32
    %dma_start3A_60 = arith.constant 0 : i32
    %dma_start3A_61 = tpu.memref_slice %arg3[%dma_start3A_59, %dma_start3A_60] : memref<1000000x32xf32, #tpu.memory_space<hbm>> -> memref<1000000x32xf32, #tpu.memory_space<hbm>>
    tpu.enqueue_indirect_dma source(%dma_start3A_61 : memref<1000000x32xf32, #tpu.memory_space<hbm>>) target(%dma_start3A_55 : memref<128x32xf32, #tpu.memory_space<vmem>>) offsets(%dma_start3A_58 : memref<128xi32, #tpu.memory_space<vmem>>) semaphore(%arg7 : memref<!tpu.dma_semaphore, #tpu.memory_space<semaphore_mem>>)
    %dma_start3A_62 = arith.constant 5 : i32
    %dma_start3A_63 = arith.constant 0 : i32
    %dma_start3A_64 = arith.constant 640 : i32
    %dma_start3A_65 = arith.constant 0 : i32
    %dma_start3A_66 = tpu.memref_slice %arg6[%dma_start3A_63, %dma_start3A_64, %dma_start3A_65] : memref<2x1280x32xf32, #tpu.memory_space<vmem>> -> memref<1x128x32xf32, #tpu.memory_space<vmem>>
    %dma_start3A_67 = tpu.memref_squeeze %dma_start3A_66 : memref<1x128x32xf32, #tpu.memory_space<vmem>> -> memref<128x32xf32, #tpu.memory_space<vmem>>
    %dma_start3A_68 = arith.constant 0 : i32
    %dma_start3A_69 = tpu.memref_slice %arg5[%dma_start3A_62, %dma_start3A_68] : memref<50x128xi32, #tpu.memory_space<vmem>> -> memref<1x128xi32, #tpu.memory_space<vmem>>
    %dma_start3A_70 = tpu.memref_squeeze %dma_start3A_69 : memref<1x128xi32, #tpu.memory_space<vmem>> -> memref<128xi32, #tpu.memory_space<vmem>>
    %dma_start3A_71 = arith.constant 0 : i32
    %dma_start3A_72 = arith.constant 0 : i32
    %dma_start3A_73 = tpu.memref_slice %arg3[%dma_start3A_71, %dma_start3A_72] : memref<1000000x32xf32, #tpu.memory_space<hbm>> -> memref<1000000x32xf32, #tpu.memory_space<hbm>>
    tpu.enqueue_indirect_dma source(%dma_start3A_73 : memref<1000000x32xf32, #tpu.memory_space<hbm>>) target(%dma_start3A_67 : memref<128x32xf32, #tpu.memory_space<vmem>>) offsets(%dma_start3A_70 : memref<128xi32, #tpu.memory_space<vmem>>) semaphore(%arg7 : memref<!tpu.dma_semaphore, #tpu.memory_space<semaphore_mem>>)
    %dma_start3A_74 = arith.constant 6 : i32
    %dma_start3A_75 = arith.constant 0 : i32
    %dma_start3A_76 = arith.constant 768 : i32
    %dma_start3A_77 = arith.constant 0 : i32
    %dma_start3A_78 = tpu.memref_slice %arg6[%dma_start3A_75, %dma_start3A_76, %dma_start3A_77] : memref<2x1280x32xf32, #tpu.memory_space<vmem>> -> memref<1x128x32xf32, #tpu.memory_space<vmem>>
    %dma_start3A_79 = tpu.memref_squeeze %dma_start3A_78 : memref<1x128x32xf32, #tpu.memory_space<vmem>> -> memref<128x32xf32, #tpu.memory_space<vmem>>
    %dma_start3A_80 = arith.constant 0 : i32
    %dma_start3A_81 = tpu.memref_slice %arg5[%dma_start3A_74, %dma_start3A_80] : memref<50x128xi32, #tpu.memory_space<vmem>> -> memref<1x128xi32, #tpu.memory_space<vmem>>
    %dma_start3A_82 = tpu.memref_squeeze %dma_start3A_81 : memref<1x128xi32, #tpu.memory_space<vmem>> -> memref<128xi32, #tpu.memory_space<vmem>>
    %dma_start3A_83 = arith.constant 0 : i32
    %dma_start3A_84 = arith.constant 0 : i32
    %dma_start3A_85 = tpu.memref_slice %arg3[%dma_start3A_83, %dma_start3A_84] : memref<1000000x32xf32, #tpu.memory_space<hbm>> -> memref<1000000x32xf32, #tpu.memory_space<hbm>>
    tpu.enqueue_indirect_dma source(%dma_start3A_85 : memref<1000000x32xf32, #tpu.memory_space<hbm>>) target(%dma_start3A_79 : memref<128x32xf32, #tpu.memory_space<vmem>>) offsets(%dma_start3A_82 : memref<128xi32, #tpu.memory_space<vmem>>) semaphore(%arg7 : memref<!tpu.dma_semaphore, #tpu.memory_space<semaphore_mem>>)
    %dma_start3A_86 = arith.constant 7 : i32
    %dma_start3A_87 = arith.constant 0 : i32
    %dma_start3A_88 = arith.constant 896 : i32
    %dma_start3A_89 = arith.constant 0 : i32
    %dma_start3A_90 = tpu.memref_slice %arg6[%dma_start3A_87, %dma_start3A_88, %dma_start3A_89] : memref<2x1280x32xf32, #tpu.memory_space<vmem>> -> memref<1x128x32xf32, #tpu.memory_space<vmem>>
    %dma_start3A_91 = tpu.memref_squeeze %dma_start3A_90 : memref<1x128x32xf32, #tpu.memory_space<vmem>> -> memref<128x32xf32, #tpu.memory_space<vmem>>
    %dma_start3A_92 = arith.constant 0 : i32
    %dma_start3A_93 = tpu.memref_slice %arg5[%dma_start3A_86, %dma_start3A_92] : memref<50x128xi32, #tpu.memory_space<vmem>> -> memref<1x128xi32, #tpu.memory_space<vmem>>
    %dma_start3A_94 = tpu.memref_squeeze %dma_start3A_93 : memref<1x128xi32, #tpu.memory_space<vmem>> -> memref<128xi32, #tpu.memory_space<vmem>>
    %dma_start3A_95 = arith.constant 0 : i32
    %dma_start3A_96 = arith.constant 0 : i32
    %dma_start3A_97 = tpu.memref_slice %arg3[%dma_start3A_95, %dma_start3A_96] : memref<1000000x32xf32, #tpu.memory_space<hbm>> -> memref<1000000x32xf32, #tpu.memory_space<hbm>>
    tpu.enqueue_indirect_dma source(%dma_start3A_97 : memref<1000000x32xf32, #tpu.memory_space<hbm>>) target(%dma_start3A_91 : memref<128x32xf32, #tpu.memory_space<vmem>>) offsets(%dma_start3A_94 : memref<128xi32, #tpu.memory_space<vmem>>) semaphore(%arg7 : memref<!tpu.dma_semaphore, #tpu.memory_space<semaphore_mem>>)
    %dma_start3A_98 = arith.constant 8 : i32
    %dma_start3A_99 = arith.constant 0 : i32
    %dma_start3A_100 = arith.constant 1024 : i32
    %dma_start3A_101 = arith.constant 0 : i32
    %dma_start3A_102 = tpu.memref_slice %arg6[%dma_start3A_99, %dma_start3A_100, %dma_start3A_101] : memref<2x1280x32xf32, #tpu.memory_space<vmem>> -> memref<1x128x32xf32, #tpu.memory_space<vmem>>
    %dma_start3A_103 = tpu.memref_squeeze %dma_start3A_102 : memref<1x128x32xf32, #tpu.memory_space<vmem>> -> memref<128x32xf32, #tpu.memory_space<vmem>>
    %dma_start3A_104 = arith.constant 0 : i32
    %dma_start3A_105 = tpu.memref_slice %arg5[%dma_start3A_98, %dma_start3A_104] : memref<50x128xi32, #tpu.memory_space<vmem>> -> memref<1x128xi32, #tpu.memory_space<vmem>>
    %dma_start3A_106 = tpu.memref_squeeze %dma_start3A_105 : memref<1x128xi32, #tpu.memory_space<vmem>> -> memref<128xi32, #tpu.memory_space<vmem>>
    %dma_start3A_107 = arith.constant 0 : i32
    %dma_start3A_108 = arith.constant 0 : i32
    %dma_start3A_109 = tpu.memref_slice %arg3[%dma_start3A_107, %dma_start3A_108] : memref<1000000x32xf32, #tpu.memory_space<hbm>> -> memref<1000000x32xf32, #tpu.memory_space<hbm>>
    tpu.enqueue_indirect_dma source(%dma_start3A_109 : memref<1000000x32xf32, #tpu.memory_space<hbm>>) target(%dma_start3A_103 : memref<128x32xf32, #tpu.memory_space<vmem>>) offsets(%dma_start3A_106 : memref<128xi32, #tpu.memory_space<vmem>>) semaphore(%arg7 : memref<!tpu.dma_semaphore, #tpu.memory_space<semaphore_mem>>)
    %dma_start3A_110 = arith.constant 9 : i32
    %dma_start3A_111 = arith.constant 0 : i32
    %dma_start3A_112 = arith.constant 1152 : i32
    %dma_start3A_113 = arith.constant 0 : i32
    %dma_start3A_114 = tpu.memref_slice %arg6[%dma_start3A_111, %dma_start3A_112, %dma_start3A_113] : memref<2x1280x32xf32, #tpu.memory_space<vmem>> -> memref<1x128x32xf32, #tpu.memory_space<vmem>>
    %dma_start3A_115 = tpu.memref_squeeze %dma_start3A_114 : memref<1x128x32xf32, #tpu.memory_space<vmem>> -> memref<128x32xf32, #tpu.memory_space<vmem>>
    %dma_start3A_116 = arith.constant 0 : i32
    %dma_start3A_117 = tpu.memref_slice %arg5[%dma_start3A_110, %dma_start3A_116] : memref<50x128xi32, #tpu.memory_space<vmem>> -> memref<1x128xi32, #tpu.memory_space<vmem>>
    %dma_start3A_118 = tpu.memref_squeeze %dma_start3A_117 : memref<1x128xi32, #tpu.memory_space<vmem>> -> memref<128xi32, #tpu.memory_space<vmem>>
    %dma_start3A_119 = arith.constant 0 : i32
    %dma_start3A_120 = arith.constant 0 : i32
    %dma_start3A_121 = tpu.memref_slice %arg3[%dma_start3A_119, %dma_start3A_120] : memref<1000000x32xf32, #tpu.memory_space<hbm>> -> memref<1000000x32xf32, #tpu.memory_space<hbm>>
    tpu.enqueue_indirect_dma source(%dma_start3A_121 : memref<1000000x32xf32, #tpu.memory_space<hbm>>) target(%dma_start3A_115 : memref<128x32xf32, #tpu.memory_space<vmem>>) offsets(%dma_start3A_118 : memref<128xi32, #tpu.memory_space<vmem>>) semaphore(%arg7 : memref<!tpu.dma_semaphore, #tpu.memory_space<semaphore_mem>>)
    %scan3A = arith.constant 0 : i32
    %scan3A_122 = arith.constant 1 : i32
    %scan3A_123 = arith.constant 4 : i32
    %scan3A_124 = arith.addi %scan3A_122, %scan3A_123 : i32
    %scan3A_125 = arith.constant 1 : i32
    scf.for %scan3A_182 = %scan3A_122 to %scan3A_124 step %scan3A_125  : i32 {
      %ge3A = arith.constant 2 : i32
      %ge3A_183 = arith.cmpi sge, %scan3A_182, %ge3A : i32
      %convert_element_type3A = arith.extui %ge3A_183 : i1 to i32
      %cond3A = arith.constant 0 : i32
      %cond3A_184 = arith.cmpi ne, %convert_element_type3A, %cond3A : i32
      scf.if %cond3A_184 {
        %jit3A_307 = arith.constant 2 : i32
        %eq3A_308 = arith.constant 0 : i32
        %eq3A_309 = arith.cmpi eq, %jit3A_307, %eq3A_308 : i32
        %jit3A_310 = arith.constant 1 : i32
        %select_n3A_311 = arith.select %eq3A_309, %jit3A_310, %jit3A_307 : i32
        %rem3A_312 = arith.remsi %scan3A_182, %select_n3A_311 : i32
        %ne3A_313 = arith.constant 0 : i32
        %ne3A_314 = arith.cmpi ne, %rem3A_312, %ne3A_313 : i32
        %lt3A_315 = arith.constant 0 : i32
        %lt3A_316 = arith.cmpi slt, %rem3A_312, %lt3A_315 : i32
        %lt3A_317 = arith.constant 0 : i32
        %lt3A_318 = arith.cmpi slt, %select_n3A_311, %lt3A_317 : i32
        %ne3A_319 = arith.xori %lt3A_316, %lt3A_318 : i1
        %and3A_320 = arith.andi %ne3A_319, %ne3A_314 : i1
        %add3A_321 = arith.addi %rem3A_312, %select_n3A_311 : i32
        %select_n3A_322 = arith.select %and3A_320, %add3A_321, %rem3A_312 : i32
        %eq3A_323 = arith.constant 0 : i32
        %eq3A_324 = arith.cmpi eq, %select_n3A_322, %eq3A_323 : i32
        %convert_element_type3A_325 = arith.extui %eq3A_324 : i1 to i32
        %cond3A_326 = arith.constant 0 : i32
        %cond3A_327 = arith.cmpi ne, %convert_element_type3A_325, %cond3A_326 : i32
        scf.if %cond3A_327 {
          %dma_wait3A_349 = arith.constant 0 : i32
          %dma_wait3A_350 = arith.constant 0 : i32
          %dma_wait3A_351 = arith.constant 0 : i32
          %dma_wait3A_352 = tpu.memref_slice %arg6[%dma_wait3A_349, %dma_wait3A_350, %dma_wait3A_351] : memref<2x1280x32xf32, #tpu.memory_space<vmem>> -> memref<1x1280x32xf32, #tpu.memory_space<vmem>>
          %dma_wait3A_353 = tpu.memref_squeeze %dma_wait3A_352 : memref<1x1280x32xf32, #tpu.memory_space<vmem>> -> memref<1280x32xf32, #tpu.memory_space<vmem>>
          %dma_wait3A_354 = arith.constant 0 : i32
          %dma_wait3A_355 = tpu.memref_slice %arg4[%mul3A_2, %dma_wait3A_354] : memref<204800x32xf32, #tpu.memory_space<hbm>> -> memref<1280x32xf32, #tpu.memory_space<hbm>>
          %dma_wait3A_356 = arith.constant 0 : i32
          %dma_wait3A_357 = tpu.memref_slice %arg4[%mul3A_2, %dma_wait3A_356] : memref<204800x32xf32, #tpu.memory_space<hbm>> -> memref<1280x32xf32, #tpu.memory_space<hbm>>
          %dma_wait3A_358 = arith.constant 0 : i32
          %dma_wait3A_359 = arith.constant 0 : i32
          %dma_wait3A_360 = tpu.memref_slice %arg6[%dma_wait3A_349, %dma_wait3A_358, %dma_wait3A_359] : memref<2x1280x32xf32, #tpu.memory_space<vmem>> -> memref<1x1280x32xf32, #tpu.memory_space<vmem>>
          %dma_wait3A_361 = tpu.memref_squeeze %dma_wait3A_360 : memref<1x1280x32xf32, #tpu.memory_space<vmem>> -> memref<1280x32xf32, #tpu.memory_space<vmem>>
          tpu.wait_dma2 semaphore(%arg9 : memref<!tpu.dma_semaphore, #tpu.memory_space<semaphore_mem>>) src(%dma_wait3A_361 : memref<1280x32xf32, #tpu.memory_space<vmem>>) dst(%dma_wait3A_357 : memref<1280x32xf32, #tpu.memory_space<hbm>>)
        } else {
        }
        %jit3A_328 = arith.constant 2 : i32
        %eq3A_329 = arith.constant 0 : i32
        %eq3A_330 = arith.cmpi eq, %jit3A_328, %eq3A_329 : i32
        %jit3A_331 = arith.constant 1 : i32
        %select_n3A_332 = arith.select %eq3A_330, %jit3A_331, %jit3A_328 : i32
        %rem3A_333 = arith.remsi %scan3A_182, %select_n3A_332 : i32
        %ne3A_334 = arith.constant 0 : i32
        %ne3A_335 = arith.cmpi ne, %rem3A_333, %ne3A_334 : i32
        %lt3A_336 = arith.constant 0 : i32
        %lt3A_337 = arith.cmpi slt, %rem3A_333, %lt3A_336 : i32
        %lt3A_338 = arith.constant 0 : i32
        %lt3A_339 = arith.cmpi slt, %select_n3A_332, %lt3A_338 : i32
        %ne3A_340 = arith.xori %lt3A_337, %lt3A_339 : i1
        %and3A_341 = arith.andi %ne3A_340, %ne3A_335 : i1
        %add3A_342 = arith.addi %rem3A_333, %select_n3A_332 : i32
        %select_n3A_343 = arith.select %and3A_341, %add3A_342, %rem3A_333 : i32
        %eq3A_344 = arith.constant 1 : i32
        %eq3A_345 = arith.cmpi eq, %select_n3A_343, %eq3A_344 : i32
        %convert_element_type3A_346 = arith.extui %eq3A_345 : i1 to i32
        %cond3A_347 = arith.constant 0 : i32
        %cond3A_348 = arith.cmpi ne, %convert_element_type3A_346, %cond3A_347 : i32
        scf.if %cond3A_348 {
          %dma_wait3A_349 = arith.constant 1 : i32
          %dma_wait3A_350 = arith.constant 0 : i32
          %dma_wait3A_351 = arith.constant 0 : i32
          %dma_wait3A_352 = tpu.memref_slice %arg6[%dma_wait3A_349, %dma_wait3A_350, %dma_wait3A_351] : memref<2x1280x32xf32, #tpu.memory_space<vmem>> -> memref<1x1280x32xf32, #tpu.memory_space<vmem>>
          %dma_wait3A_353 = tpu.memref_squeeze %dma_wait3A_352 : memref<1x1280x32xf32, #tpu.memory_space<vmem>> -> memref<1280x32xf32, #tpu.memory_space<vmem>>
          %dma_wait3A_354 = arith.constant 0 : i32
          %dma_wait3A_355 = tpu.memref_slice %arg4[%mul3A_2, %dma_wait3A_354] : memref<204800x32xf32, #tpu.memory_space<hbm>> -> memref<1280x32xf32, #tpu.memory_space<hbm>>
          %dma_wait3A_356 = arith.constant 0 : i32
          %dma_wait3A_357 = tpu.memref_slice %arg4[%mul3A_2, %dma_wait3A_356] : memref<204800x32xf32, #tpu.memory_space<hbm>> -> memref<1280x32xf32, #tpu.memory_space<hbm>>
          %dma_wait3A_358 = arith.constant 0 : i32
          %dma_wait3A_359 = arith.constant 0 : i32
          %dma_wait3A_360 = tpu.memref_slice %arg6[%dma_wait3A_349, %dma_wait3A_358, %dma_wait3A_359] : memref<2x1280x32xf32, #tpu.memory_space<vmem>> -> memref<1x1280x32xf32, #tpu.memory_space<vmem>>
          %dma_wait3A_361 = tpu.memref_squeeze %dma_wait3A_360 : memref<1x1280x32xf32, #tpu.memory_space<vmem>> -> memref<1280x32xf32, #tpu.memory_space<vmem>>
          tpu.wait_dma2 semaphore(%arg10 : memref<!tpu.dma_semaphore, #tpu.memory_space<semaphore_mem>>) src(%dma_wait3A_361 : memref<1280x32xf32, #tpu.memory_space<vmem>>) dst(%dma_wait3A_357 : memref<1280x32xf32, #tpu.memory_space<hbm>>)
        } else {
        }
      } else {
      }
      %jit3A = arith.constant 2 : i32
      %eq3A = arith.constant 0 : i32
      %eq3A_185 = arith.cmpi eq, %jit3A, %eq3A : i32
      %jit3A_186 = arith.constant 1 : i32
      %select_n3A = arith.select %eq3A_185, %jit3A_186, %jit3A : i32
      %rem3A = arith.remsi %scan3A_182, %select_n3A : i32
      %ne3A = arith.constant 0 : i32
      %ne3A_187 = arith.cmpi ne, %rem3A, %ne3A : i32
      %lt3A = arith.constant 0 : i32
      %lt3A_188 = arith.cmpi slt, %rem3A, %lt3A : i32
      %lt3A_189 = arith.constant 0 : i32
      %lt3A_190 = arith.cmpi slt, %select_n3A, %lt3A_189 : i32
      %ne3A_191 = arith.xori %lt3A_188, %lt3A_190 : i1
      %and3A = arith.andi %ne3A_191, %ne3A_187 : i1
      %add3A_192 = arith.addi %rem3A, %select_n3A : i32
      %select_n3A_193 = arith.select %and3A, %add3A_192, %rem3A : i32
      %eq3A_194 = arith.constant 0 : i32
      %eq3A_195 = arith.cmpi eq, %select_n3A_193, %eq3A_194 : i32
      %convert_element_type3A_196 = arith.extui %eq3A_195 : i1 to i32
      %cond3A_197 = arith.constant 0 : i32
      %cond3A_198 = arith.cmpi ne, %convert_element_type3A_196, %cond3A_197 : i32
      scf.if %cond3A_198 {
        %mul3A_307 = arith.constant 10 : i32
        %mul3A_308 = arith.muli %scan3A_182, %mul3A_307 : i32
        %add3A_309 = arith.constant 0 : i32
        %add3A_310 = arith.addi %mul3A_308, %add3A_309 : i32
        %dma_start3A_311 = arith.constant 0 : i32
        %dma_start3A_312 = arith.constant 0 : i32
        %dma_start3A_313 = arith.constant 0 : i32
        %dma_start3A_314 = tpu.memref_slice %arg6[%dma_start3A_311, %dma_start3A_312, %dma_start3A_313] : memref<2x1280x32xf32, #tpu.memory_space<vmem>> -> memref<1x128x32xf32, #tpu.memory_space<vmem>>
        %dma_start3A_315 = tpu.memref_squeeze %dma_start3A_314 : memref<1x128x32xf32, #tpu.memory_space<vmem>> -> memref<128x32xf32, #tpu.memory_space<vmem>>
        %dma_start3A_316 = arith.constant 0 : i32
        %dma_start3A_317 = tpu.memref_slice %arg5[%add3A_310, %dma_start3A_316] : memref<50x128xi32, #tpu.memory_space<vmem>> -> memref<1x128xi32, #tpu.memory_space<vmem>>
        %dma_start3A_318 = tpu.memref_squeeze %dma_start3A_317 : memref<1x128xi32, #tpu.memory_space<vmem>> -> memref<128xi32, #tpu.memory_space<vmem>>
        %dma_start3A_319 = arith.constant 0 : i32
        %dma_start3A_320 = arith.constant 0 : i32
        %dma_start3A_321 = tpu.memref_slice %arg3[%dma_start3A_319, %dma_start3A_320] : memref<1000000x32xf32, #tpu.memory_space<hbm>> -> memref<1000000x32xf32, #tpu.memory_space<hbm>>
        tpu.enqueue_indirect_dma source(%dma_start3A_321 : memref<1000000x32xf32, #tpu.memory_space<hbm>>) target(%dma_start3A_315 : memref<128x32xf32, #tpu.memory_space<vmem>>) offsets(%dma_start3A_318 : memref<128xi32, #tpu.memory_space<vmem>>) semaphore(%arg7 : memref<!tpu.dma_semaphore, #tpu.memory_space<semaphore_mem>>)
        %mul3A_322 = arith.constant 10 : i32
        %mul3A_323 = arith.muli %scan3A_182, %mul3A_322 : i32
        %add3A_324 = arith.constant 1 : i32
        %add3A_325 = arith.addi %mul3A_323, %add3A_324 : i32
        %dma_start3A_326 = arith.constant 0 : i32
        %dma_start3A_327 = arith.constant 128 : i32
        %dma_start3A_328 = arith.constant 0 : i32
        %dma_start3A_329 = tpu.memref_slice %arg6[%dma_start3A_326, %dma_start3A_327, %dma_start3A_328] : memref<2x1280x32xf32, #tpu.memory_space<vmem>> -> memref<1x128x32xf32, #tpu.memory_space<vmem>>
        %dma_start3A_330 = tpu.memref_squeeze %dma_start3A_329 : memref<1x128x32xf32, #tpu.memory_space<vmem>> -> memref<128x32xf32, #tpu.memory_space<vmem>>
        %dma_start3A_331 = arith.constant 0 : i32
        %dma_start3A_332 = tpu.memref_slice %arg5[%add3A_325, %dma_start3A_331] : memref<50x128xi32, #tpu.memory_space<vmem>> -> memref<1x128xi32, #tpu.memory_space<vmem>>
        %dma_start3A_333 = tpu.memref_squeeze %dma_start3A_332 : memref<1x128xi32, #tpu.memory_space<vmem>> -> memref<128xi32, #tpu.memory_space<vmem>>
        %dma_start3A_334 = arith.constant 0 : i32
        %dma_start3A_335 = arith.constant 0 : i32
        %dma_start3A_336 = tpu.memref_slice %arg3[%dma_start3A_334, %dma_start3A_335] : memref<1000000x32xf32, #tpu.memory_space<hbm>> -> memref<1000000x32xf32, #tpu.memory_space<hbm>>
        tpu.enqueue_indirect_dma source(%dma_start3A_336 : memref<1000000x32xf32, #tpu.memory_space<hbm>>) target(%dma_start3A_330 : memref<128x32xf32, #tpu.memory_space<vmem>>) offsets(%dma_start3A_333 : memref<128xi32, #tpu.memory_space<vmem>>) semaphore(%arg7 : memref<!tpu.dma_semaphore, #tpu.memory_space<semaphore_mem>>)
        %mul3A_337 = arith.constant 10 : i32
        %mul3A_338 = arith.muli %scan3A_182, %mul3A_337 : i32
        %add3A_339 = arith.constant 2 : i32
        %add3A_340 = arith.addi %mul3A_338, %add3A_339 : i32
        %dma_start3A_341 = arith.constant 0 : i32
        %dma_start3A_342 = arith.constant 256 : i32
        %dma_start3A_343 = arith.constant 0 : i32
        %dma_start3A_344 = tpu.memref_slice %arg6[%dma_start3A_341, %dma_start3A_342, %dma_start3A_343] : memref<2x1280x32xf32, #tpu.memory_space<vmem>> -> memref<1x128x32xf32, #tpu.memory_space<vmem>>
        %dma_start3A_345 = tpu.memref_squeeze %dma_start3A_344 : memref<1x128x32xf32, #tpu.memory_space<vmem>> -> memref<128x32xf32, #tpu.memory_space<vmem>>
        %dma_start3A_346 = arith.constant 0 : i32
        %dma_start3A_347 = tpu.memref_slice %arg5[%add3A_340, %dma_start3A_346] : memref<50x128xi32, #tpu.memory_space<vmem>> -> memref<1x128xi32, #tpu.memory_space<vmem>>
        %dma_start3A_348 = tpu.memref_squeeze %dma_start3A_347 : memref<1x128xi32, #tpu.memory_space<vmem>> -> memref<128xi32, #tpu.memory_space<vmem>>
        %dma_start3A_349 = arith.constant 0 : i32
        %dma_start3A_350 = arith.constant 0 : i32
        %dma_start3A_351 = tpu.memref_slice %arg3[%dma_start3A_349, %dma_start3A_350] : memref<1000000x32xf32, #tpu.memory_space<hbm>> -> memref<1000000x32xf32, #tpu.memory_space<hbm>>
        tpu.enqueue_indirect_dma source(%dma_start3A_351 : memref<1000000x32xf32, #tpu.memory_space<hbm>>) target(%dma_start3A_345 : memref<128x32xf32, #tpu.memory_space<vmem>>) offsets(%dma_start3A_348 : memref<128xi32, #tpu.memory_space<vmem>>) semaphore(%arg7 : memref<!tpu.dma_semaphore, #tpu.memory_space<semaphore_mem>>)
        %mul3A_352 = arith.constant 10 : i32
        %mul3A_353 = arith.muli %scan3A_182, %mul3A_352 : i32
        %add3A_354 = arith.constant 3 : i32
        %add3A_355 = arith.addi %mul3A_353, %add3A_354 : i32
        %dma_start3A_356 = arith.constant 0 : i32
        %dma_start3A_357 = arith.constant 384 : i32
        %dma_start3A_358 = arith.constant 0 : i32
        %dma_start3A_359 = tpu.memref_slice %arg6[%dma_start3A_356, %dma_start3A_357, %dma_start3A_358] : memref<2x1280x32xf32, #tpu.memory_space<vmem>> -> memref<1x128x32xf32, #tpu.memory_space<vmem>>
        %dma_start3A_360 = tpu.memref_squeeze %dma_start3A_359 : memref<1x128x32xf32, #tpu.memory_space<vmem>> -> memref<128x32xf32, #tpu.memory_space<vmem>>
        %dma_start3A_361 = arith.constant 0 : i32
        %dma_start3A_362 = tpu.memref_slice %arg5[%add3A_355, %dma_start3A_361] : memref<50x128xi32, #tpu.memory_space<vmem>> -> memref<1x128xi32, #tpu.memory_space<vmem>>
        %dma_start3A_363 = tpu.memref_squeeze %dma_start3A_362 : memref<1x128xi32, #tpu.memory_space<vmem>> -> memref<128xi32, #tpu.memory_space<vmem>>
        %dma_start3A_364 = arith.constant 0 : i32
        %dma_start3A_365 = arith.constant 0 : i32
        %dma_start3A_366 = tpu.memref_slice %arg3[%dma_start3A_364, %dma_start3A_365] : memref<1000000x32xf32, #tpu.memory_space<hbm>> -> memref<1000000x32xf32, #tpu.memory_space<hbm>>
        tpu.enqueue_indirect_dma source(%dma_start3A_366 : memref<1000000x32xf32, #tpu.memory_space<hbm>>) target(%dma_start3A_360 : memref<128x32xf32, #tpu.memory_space<vmem>>) offsets(%dma_start3A_363 : memref<128xi32, #tpu.memory_space<vmem>>) semaphore(%arg7 : memref<!tpu.dma_semaphore, #tpu.memory_space<semaphore_mem>>)
        %mul3A_367 = arith.constant 10 : i32
        %mul3A_368 = arith.muli %scan3A_182, %mul3A_367 : i32
        %add3A_369 = arith.constant 4 : i32
        %add3A_370 = arith.addi %mul3A_368, %add3A_369 : i32
        %dma_start3A_371 = arith.constant 0 : i32
        %dma_start3A_372 = arith.constant 512 : i32
        %dma_start3A_373 = arith.constant 0 : i32
        %dma_start3A_374 = tpu.memref_slice %arg6[%dma_start3A_371, %dma_start3A_372, %dma_start3A_373] : memref<2x1280x32xf32, #tpu.memory_space<vmem>> -> memref<1x128x32xf32, #tpu.memory_space<vmem>>
        %dma_start3A_375 = tpu.memref_squeeze %dma_start3A_374 : memref<1x128x32xf32, #tpu.memory_space<vmem>> -> memref<128x32xf32, #tpu.memory_space<vmem>>
        %dma_start3A_376 = arith.constant 0 : i32
        %dma_start3A_377 = tpu.memref_slice %arg5[%add3A_370, %dma_start3A_376] : memref<50x128xi32, #tpu.memory_space<vmem>> -> memref<1x128xi32, #tpu.memory_space<vmem>>
        %dma_start3A_378 = tpu.memref_squeeze %dma_start3A_377 : memref<1x128xi32, #tpu.memory_space<vmem>> -> memref<128xi32, #tpu.memory_space<vmem>>
        %dma_start3A_379 = arith.constant 0 : i32
        %dma_start3A_380 = arith.constant 0 : i32
        %dma_start3A_381 = tpu.memref_slice %arg3[%dma_start3A_379, %dma_start3A_380] : memref<1000000x32xf32, #tpu.memory_space<hbm>> -> memref<1000000x32xf32, #tpu.memory_space<hbm>>
        tpu.enqueue_indirect_dma source(%dma_start3A_381 : memref<1000000x32xf32, #tpu.memory_space<hbm>>) target(%dma_start3A_375 : memref<128x32xf32, #tpu.memory_space<vmem>>) offsets(%dma_start3A_378 : memref<128xi32, #tpu.memory_space<vmem>>) semaphore(%arg7 : memref<!tpu.dma_semaphore, #tpu.memory_space<semaphore_mem>>)
        %mul3A_382 = arith.constant 10 : i32
        %mul3A_383 = arith.muli %scan3A_182, %mul3A_382 : i32
        %add3A_384 = arith.constant 5 : i32
        %add3A_385 = arith.addi %mul3A_383, %add3A_384 : i32
        %dma_start3A_386 = arith.constant 0 : i32
        %dma_start3A_387 = arith.constant 640 : i32
        %dma_start3A_388 = arith.constant 0 : i32
        %dma_start3A_389 = tpu.memref_slice %arg6[%dma_start3A_386, %dma_start3A_387, %dma_start3A_388] : memref<2x1280x32xf32, #tpu.memory_space<vmem>> -> memref<1x128x32xf32, #tpu.memory_space<vmem>>
        %dma_start3A_390 = tpu.memref_squeeze %dma_start3A_389 : memref<1x128x32xf32, #tpu.memory_space<vmem>> -> memref<128x32xf32, #tpu.memory_space<vmem>>
        %dma_start3A_391 = arith.constant 0 : i32
        %dma_start3A_392 = tpu.memref_slice %arg5[%add3A_385, %dma_start3A_391] : memref<50x128xi32, #tpu.memory_space<vmem>> -> memref<1x128xi32, #tpu.memory_space<vmem>>
        %dma_start3A_393 = tpu.memref_squeeze %dma_start3A_392 : memref<1x128xi32, #tpu.memory_space<vmem>> -> memref<128xi32, #tpu.memory_space<vmem>>
        %dma_start3A_394 = arith.constant 0 : i32
        %dma_start3A_395 = arith.constant 0 : i32
        %dma_start3A_396 = tpu.memref_slice %arg3[%dma_start3A_394, %dma_start3A_395] : memref<1000000x32xf32, #tpu.memory_space<hbm>> -> memref<1000000x32xf32, #tpu.memory_space<hbm>>
        tpu.enqueue_indirect_dma source(%dma_start3A_396 : memref<1000000x32xf32, #tpu.memory_space<hbm>>) target(%dma_start3A_390 : memref<128x32xf32, #tpu.memory_space<vmem>>) offsets(%dma_start3A_393 : memref<128xi32, #tpu.memory_space<vmem>>) semaphore(%arg7 : memref<!tpu.dma_semaphore, #tpu.memory_space<semaphore_mem>>)
        %mul3A_397 = arith.constant 10 : i32
        %mul3A_398 = arith.muli %scan3A_182, %mul3A_397 : i32
        %add3A_399 = arith.constant 6 : i32
        %add3A_400 = arith.addi %mul3A_398, %add3A_399 : i32
        %dma_start3A_401 = arith.constant 0 : i32
        %dma_start3A_402 = arith.constant 768 : i32
        %dma_start3A_403 = arith.constant 0 : i32
        %dma_start3A_404 = tpu.memref_slice %arg6[%dma_start3A_401, %dma_start3A_402, %dma_start3A_403] : memref<2x1280x32xf32, #tpu.memory_space<vmem>> -> memref<1x128x32xf32, #tpu.memory_space<vmem>>
        %dma_start3A_405 = tpu.memref_squeeze %dma_start3A_404 : memref<1x128x32xf32, #tpu.memory_space<vmem>> -> memref<128x32xf32, #tpu.memory_space<vmem>>
        %dma_start3A_406 = arith.constant 0 : i32
        %dma_start3A_407 = tpu.memref_slice %arg5[%add3A_400, %dma_start3A_406] : memref<50x128xi32, #tpu.memory_space<vmem>> -> memref<1x128xi32, #tpu.memory_space<vmem>>
        %dma_start3A_408 = tpu.memref_squeeze %dma_start3A_407 : memref<1x128xi32, #tpu.memory_space<vmem>> -> memref<128xi32, #tpu.memory_space<vmem>>
        %dma_start3A_409 = arith.constant 0 : i32
        %dma_start3A_410 = arith.constant 0 : i32
        %dma_start3A_411 = tpu.memref_slice %arg3[%dma_start3A_409, %dma_start3A_410] : memref<1000000x32xf32, #tpu.memory_space<hbm>> -> memref<1000000x32xf32, #tpu.memory_space<hbm>>
        tpu.enqueue_indirect_dma source(%dma_start3A_411 : memref<1000000x32xf32, #tpu.memory_space<hbm>>) target(%dma_start3A_405 : memref<128x32xf32, #tpu.memory_space<vmem>>) offsets(%dma_start3A_408 : memref<128xi32, #tpu.memory_space<vmem>>) semaphore(%arg7 : memref<!tpu.dma_semaphore, #tpu.memory_space<semaphore_mem>>)
        %mul3A_412 = arith.constant 10 : i32
        %mul3A_413 = arith.muli %scan3A_182, %mul3A_412 : i32
        %add3A_414 = arith.constant 7 : i32
        %add3A_415 = arith.addi %mul3A_413, %add3A_414 : i32
        %dma_start3A_416 = arith.constant 0 : i32
        %dma_start3A_417 = arith.constant 896 : i32
        %dma_start3A_418 = arith.constant 0 : i32
        %dma_start3A_419 = tpu.memref_slice %arg6[%dma_start3A_416, %dma_start3A_417, %dma_start3A_418] : memref<2x1280x32xf32, #tpu.memory_space<vmem>> -> memref<1x128x32xf32, #tpu.memory_space<vmem>>
        %dma_start3A_420 = tpu.memref_squeeze %dma_start3A_419 : memref<1x128x32xf32, #tpu.memory_space<vmem>> -> memref<128x32xf32, #tpu.memory_space<vmem>>
        %dma_start3A_421 = arith.constant 0 : i32
        %dma_start3A_422 = tpu.memref_slice %arg5[%add3A_415, %dma_start3A_421] : memref<50x128xi32, #tpu.memory_space<vmem>> -> memref<1x128xi32, #tpu.memory_space<vmem>>
        %dma_start3A_423 = tpu.memref_squeeze %dma_start3A_422 : memref<1x128xi32, #tpu.memory_space<vmem>> -> memref<128xi32, #tpu.memory_space<vmem>>
        %dma_start3A_424 = arith.constant 0 : i32
        %dma_start3A_425 = arith.constant 0 : i32
        %dma_start3A_426 = tpu.memref_slice %arg3[%dma_start3A_424, %dma_start3A_425] : memref<1000000x32xf32, #tpu.memory_space<hbm>> -> memref<1000000x32xf32, #tpu.memory_space<hbm>>
        tpu.enqueue_indirect_dma source(%dma_start3A_426 : memref<1000000x32xf32, #tpu.memory_space<hbm>>) target(%dma_start3A_420 : memref<128x32xf32, #tpu.memory_space<vmem>>) offsets(%dma_start3A_423 : memref<128xi32, #tpu.memory_space<vmem>>) semaphore(%arg7 : memref<!tpu.dma_semaphore, #tpu.memory_space<semaphore_mem>>)
        %mul3A_427 = arith.constant 10 : i32
        %mul3A_428 = arith.muli %scan3A_182, %mul3A_427 : i32
        %add3A_429 = arith.constant 8 : i32
        %add3A_430 = arith.addi %mul3A_428, %add3A_429 : i32
        %dma_start3A_431 = arith.constant 0 : i32
        %dma_start3A_432 = arith.constant 1024 : i32
        %dma_start3A_433 = arith.constant 0 : i32
        %dma_start3A_434 = tpu.memref_slice %arg6[%dma_start3A_431, %dma_start3A_432, %dma_start3A_433] : memref<2x1280x32xf32, #tpu.memory_space<vmem>> -> memref<1x128x32xf32, #tpu.memory_space<vmem>>
        %dma_start3A_435 = tpu.memref_squeeze %dma_start3A_434 : memref<1x128x32xf32, #tpu.memory_space<vmem>> -> memref<128x32xf32, #tpu.memory_space<vmem>>
        %dma_start3A_436 = arith.constant 0 : i32
        %dma_start3A_437 = tpu.memref_slice %arg5[%add3A_430, %dma_start3A_436] : memref<50x128xi32, #tpu.memory_space<vmem>> -> memref<1x128xi32, #tpu.memory_space<vmem>>
        %dma_start3A_438 = tpu.memref_squeeze %dma_start3A_437 : memref<1x128xi32, #tpu.memory_space<vmem>> -> memref<128xi32, #tpu.memory_space<vmem>>
        %dma_start3A_439 = arith.constant 0 : i32
        %dma_start3A_440 = arith.constant 0 : i32
        %dma_start3A_441 = tpu.memref_slice %arg3[%dma_start3A_439, %dma_start3A_440] : memref<1000000x32xf32, #tpu.memory_space<hbm>> -> memref<1000000x32xf32, #tpu.memory_space<hbm>>
        tpu.enqueue_indirect_dma source(%dma_start3A_441 : memref<1000000x32xf32, #tpu.memory_space<hbm>>) target(%dma_start3A_435 : memref<128x32xf32, #tpu.memory_space<vmem>>) offsets(%dma_start3A_438 : memref<128xi32, #tpu.memory_space<vmem>>) semaphore(%arg7 : memref<!tpu.dma_semaphore, #tpu.memory_space<semaphore_mem>>)
        %mul3A_442 = arith.constant 10 : i32
        %mul3A_443 = arith.muli %scan3A_182, %mul3A_442 : i32
        %add3A_444 = arith.constant 9 : i32
        %add3A_445 = arith.addi %mul3A_443, %add3A_444 : i32
        %dma_start3A_446 = arith.constant 0 : i32
        %dma_start3A_447 = arith.constant 1152 : i32
        %dma_start3A_448 = arith.constant 0 : i32
        %dma_start3A_449 = tpu.memref_slice %arg6[%dma_start3A_446, %dma_start3A_447, %dma_start3A_448] : memref<2x1280x32xf32, #tpu.memory_space<vmem>> -> memref<1x128x32xf32, #tpu.memory_space<vmem>>
        %dma_start3A_450 = tpu.memref_squeeze %dma_start3A_449 : memref<1x128x32xf32, #tpu.memory_space<vmem>> -> memref<128x32xf32, #tpu.memory_space<vmem>>
        %dma_start3A_451 = arith.constant 0 : i32
        %dma_start3A_452 = tpu.memref_slice %arg5[%add3A_445, %dma_start3A_451] : memref<50x128xi32, #tpu.memory_space<vmem>> -> memref<1x128xi32, #tpu.memory_space<vmem>>
        %dma_start3A_453 = tpu.memref_squeeze %dma_start3A_452 : memref<1x128xi32, #tpu.memory_space<vmem>> -> memref<128xi32, #tpu.memory_space<vmem>>
        %dma_start3A_454 = arith.constant 0 : i32
        %dma_start3A_455 = arith.constant 0 : i32
        %dma_start3A_456 = tpu.memref_slice %arg3[%dma_start3A_454, %dma_start3A_455] : memref<1000000x32xf32, #tpu.memory_space<hbm>> -> memref<1000000x32xf32, #tpu.memory_space<hbm>>
        tpu.enqueue_indirect_dma source(%dma_start3A_456 : memref<1000000x32xf32, #tpu.memory_space<hbm>>) target(%dma_start3A_450 : memref<128x32xf32, #tpu.memory_space<vmem>>) offsets(%dma_start3A_453 : memref<128xi32, #tpu.memory_space<vmem>>) semaphore(%arg7 : memref<!tpu.dma_semaphore, #tpu.memory_space<semaphore_mem>>)
      } else {
      }
      %jit3A_199 = arith.constant 2 : i32
      %eq3A_200 = arith.constant 0 : i32
      %eq3A_201 = arith.cmpi eq, %jit3A_199, %eq3A_200 : i32
      %jit3A_202 = arith.constant 1 : i32
      %select_n3A_203 = arith.select %eq3A_201, %jit3A_202, %jit3A_199 : i32
      %rem3A_204 = arith.remsi %scan3A_182, %select_n3A_203 : i32
      %ne3A_205 = arith.constant 0 : i32
      %ne3A_206 = arith.cmpi ne, %rem3A_204, %ne3A_205 : i32
      %lt3A_207 = arith.constant 0 : i32
      %lt3A_208 = arith.cmpi slt, %rem3A_204, %lt3A_207 : i32
      %lt3A_209 = arith.constant 0 : i32
      %lt3A_210 = arith.cmpi slt, %select_n3A_203, %lt3A_209 : i32
      %ne3A_211 = arith.xori %lt3A_208, %lt3A_210 : i1
      %and3A_212 = arith.andi %ne3A_211, %ne3A_206 : i1
      %add3A_213 = arith.addi %rem3A_204, %select_n3A_203 : i32
      %select_n3A_214 = arith.select %and3A_212, %add3A_213, %rem3A_204 : i32
      %eq3A_215 = arith.constant 1 : i32
      %eq3A_216 = arith.cmpi eq, %select_n3A_214, %eq3A_215 : i32
      %convert_element_type3A_217 = arith.extui %eq3A_216 : i1 to i32
      %cond3A_218 = arith.constant 0 : i32
      %cond3A_219 = arith.cmpi ne, %convert_element_type3A_217, %cond3A_218 : i32
      scf.if %cond3A_219 {
        %mul3A_307 = arith.constant 10 : i32
        %mul3A_308 = arith.muli %scan3A_182, %mul3A_307 : i32
        %add3A_309 = arith.constant 0 : i32
        %add3A_310 = arith.addi %mul3A_308, %add3A_309 : i32
        %dma_start3A_311 = arith.constant 1 : i32
        %dma_start3A_312 = arith.constant 0 : i32
        %dma_start3A_313 = arith.constant 0 : i32
        %dma_start3A_314 = tpu.memref_slice %arg6[%dma_start3A_311, %dma_start3A_312, %dma_start3A_313] : memref<2x1280x32xf32, #tpu.memory_space<vmem>> -> memref<1x128x32xf32, #tpu.memory_space<vmem>>
        %dma_start3A_315 = tpu.memref_squeeze %dma_start3A_314 : memref<1x128x32xf32, #tpu.memory_space<vmem>> -> memref<128x32xf32, #tpu.memory_space<vmem>>
        %dma_start3A_316 = arith.constant 0 : i32
        %dma_start3A_317 = tpu.memref_slice %arg5[%add3A_310, %dma_start3A_316] : memref<50x128xi32, #tpu.memory_space<vmem>> -> memref<1x128xi32, #tpu.memory_space<vmem>>
        %dma_start3A_318 = tpu.memref_squeeze %dma_start3A_317 : memref<1x128xi32, #tpu.memory_space<vmem>> -> memref<128xi32, #tpu.memory_space<vmem>>
        %dma_start3A_319 = arith.constant 0 : i32
        %dma_start3A_320 = arith.constant 0 : i32
        %dma_start3A_321 = tpu.memref_slice %arg3[%dma_start3A_319, %dma_start3A_320] : memref<1000000x32xf32, #tpu.memory_space<hbm>> -> memref<1000000x32xf32, #tpu.memory_space<hbm>>
        tpu.enqueue_indirect_dma source(%dma_start3A_321 : memref<1000000x32xf32, #tpu.memory_space<hbm>>) target(%dma_start3A_315 : memref<128x32xf32, #tpu.memory_space<vmem>>) offsets(%dma_start3A_318 : memref<128xi32, #tpu.memory_space<vmem>>) semaphore(%arg8 : memref<!tpu.dma_semaphore, #tpu.memory_space<semaphore_mem>>)
        %mul3A_322 = arith.constant 10 : i32
        %mul3A_323 = arith.muli %scan3A_182, %mul3A_322 : i32
        %add3A_324 = arith.constant 1 : i32
        %add3A_325 = arith.addi %mul3A_323, %add3A_324 : i32
        %dma_start3A_326 = arith.constant 1 : i32
        %dma_start3A_327 = arith.constant 128 : i32
        %dma_start3A_328 = arith.constant 0 : i32
        %dma_start3A_329 = tpu.memref_slice %arg6[%dma_start3A_326, %dma_start3A_327, %dma_start3A_328] : memref<2x1280x32xf32, #tpu.memory_space<vmem>> -> memref<1x128x32xf32, #tpu.memory_space<vmem>>
        %dma_start3A_330 = tpu.memref_squeeze %dma_start3A_329 : memref<1x128x32xf32, #tpu.memory_space<vmem>> -> memref<128x32xf32, #tpu.memory_space<vmem>>
        %dma_start3A_331 = arith.constant 0 : i32
        %dma_start3A_332 = tpu.memref_slice %arg5[%add3A_325, %dma_start3A_331] : memref<50x128xi32, #tpu.memory_space<vmem>> -> memref<1x128xi32, #tpu.memory_space<vmem>>
        %dma_start3A_333 = tpu.memref_squeeze %dma_start3A_332 : memref<1x128xi32, #tpu.memory_space<vmem>> -> memref<128xi32, #tpu.memory_space<vmem>>
        %dma_start3A_334 = arith.constant 0 : i32
        %dma_start3A_335 = arith.constant 0 : i32
        %dma_start3A_336 = tpu.memref_slice %arg3[%dma_start3A_334, %dma_start3A_335] : memref<1000000x32xf32, #tpu.memory_space<hbm>> -> memref<1000000x32xf32, #tpu.memory_space<hbm>>
        tpu.enqueue_indirect_dma source(%dma_start3A_336 : memref<1000000x32xf32, #tpu.memory_space<hbm>>) target(%dma_start3A_330 : memref<128x32xf32, #tpu.memory_space<vmem>>) offsets(%dma_start3A_333 : memref<128xi32, #tpu.memory_space<vmem>>) semaphore(%arg8 : memref<!tpu.dma_semaphore, #tpu.memory_space<semaphore_mem>>)
        %mul3A_337 = arith.constant 10 : i32
        %mul3A_338 = arith.muli %scan3A_182, %mul3A_337 : i32
        %add3A_339 = arith.constant 2 : i32
        %add3A_340 = arith.addi %mul3A_338, %add3A_339 : i32
        %dma_start3A_341 = arith.constant 1 : i32
        %dma_start3A_342 = arith.constant 256 : i32
        %dma_start3A_343 = arith.constant 0 : i32
        %dma_start3A_344 = tpu.memref_slice %arg6[%dma_start3A_341, %dma_start3A_342, %dma_start3A_343] : memref<2x1280x32xf32, #tpu.memory_space<vmem>> -> memref<1x128x32xf32, #tpu.memory_space<vmem>>
        %dma_start3A_345 = tpu.memref_squeeze %dma_start3A_344 : memref<1x128x32xf32, #tpu.memory_space<vmem>> -> memref<128x32xf32, #tpu.memory_space<vmem>>
        %dma_start3A_346 = arith.constant 0 : i32
        %dma_start3A_347 = tpu.memref_slice %arg5[%add3A_340, %dma_start3A_346] : memref<50x128xi32, #tpu.memory_space<vmem>> -> memref<1x128xi32, #tpu.memory_space<vmem>>
        %dma_start3A_348 = tpu.memref_squeeze %dma_start3A_347 : memref<1x128xi32, #tpu.memory_space<vmem>> -> memref<128xi32, #tpu.memory_space<vmem>>
        %dma_start3A_349 = arith.constant 0 : i32
        %dma_start3A_350 = arith.constant 0 : i32
        %dma_start3A_351 = tpu.memref_slice %arg3[%dma_start3A_349, %dma_start3A_350] : memref<1000000x32xf32, #tpu.memory_space<hbm>> -> memref<1000000x32xf32, #tpu.memory_space<hbm>>
        tpu.enqueue_indirect_dma source(%dma_start3A_351 : memref<1000000x32xf32, #tpu.memory_space<hbm>>) target(%dma_start3A_345 : memref<128x32xf32, #tpu.memory_space<vmem>>) offsets(%dma_start3A_348 : memref<128xi32, #tpu.memory_space<vmem>>) semaphore(%arg8 : memref<!tpu.dma_semaphore, #tpu.memory_space<semaphore_mem>>)
        %mul3A_352 = arith.constant 10 : i32
        %mul3A_353 = arith.muli %scan3A_182, %mul3A_352 : i32
        %add3A_354 = arith.constant 3 : i32
        %add3A_355 = arith.addi %mul3A_353, %add3A_354 : i32
        %dma_start3A_356 = arith.constant 1 : i32
        %dma_start3A_357 = arith.constant 384 : i32
        %dma_start3A_358 = arith.constant 0 : i32
        %dma_start3A_359 = tpu.memref_slice %arg6[%dma_start3A_356, %dma_start3A_357, %dma_start3A_358] : memref<2x1280x32xf32, #tpu.memory_space<vmem>> -> memref<1x128x32xf32, #tpu.memory_space<vmem>>
        %dma_start3A_360 = tpu.memref_squeeze %dma_start3A_359 : memref<1x128x32xf32, #tpu.memory_space<vmem>> -> memref<128x32xf32, #tpu.memory_space<vmem>>
        %dma_start3A_361 = arith.constant 0 : i32
        %dma_start3A_362 = tpu.memref_slice %arg5[%add3A_355, %dma_start3A_361] : memref<50x128xi32, #tpu.memory_space<vmem>> -> memref<1x128xi32, #tpu.memory_space<vmem>>
        %dma_start3A_363 = tpu.memref_squeeze %dma_start3A_362 : memref<1x128xi32, #tpu.memory_space<vmem>> -> memref<128xi32, #tpu.memory_space<vmem>>
        %dma_start3A_364 = arith.constant 0 : i32
        %dma_start3A_365 = arith.constant 0 : i32
        %dma_start3A_366 = tpu.memref_slice %arg3[%dma_start3A_364, %dma_start3A_365] : memref<1000000x32xf32, #tpu.memory_space<hbm>> -> memref<1000000x32xf32, #tpu.memory_space<hbm>>
        tpu.enqueue_indirect_dma source(%dma_start3A_366 : memref<1000000x32xf32, #tpu.memory_space<hbm>>) target(%dma_start3A_360 : memref<128x32xf32, #tpu.memory_space<vmem>>) offsets(%dma_start3A_363 : memref<128xi32, #tpu.memory_space<vmem>>) semaphore(%arg8 : memref<!tpu.dma_semaphore, #tpu.memory_space<semaphore_mem>>)
        %mul3A_367 = arith.constant 10 : i32
        %mul3A_368 = arith.muli %scan3A_182, %mul3A_367 : i32
        %add3A_369 = arith.constant 4 : i32
        %add3A_370 = arith.addi %mul3A_368, %add3A_369 : i32
        %dma_start3A_371 = arith.constant 1 : i32
        %dma_start3A_372 = arith.constant 512 : i32
        %dma_start3A_373 = arith.constant 0 : i32
        %dma_start3A_374 = tpu.memref_slice %arg6[%dma_start3A_371, %dma_start3A_372, %dma_start3A_373] : memref<2x1280x32xf32, #tpu.memory_space<vmem>> -> memref<1x128x32xf32, #tpu.memory_space<vmem>>
        %dma_start3A_375 = tpu.memref_squeeze %dma_start3A_374 : memref<1x128x32xf32, #tpu.memory_space<vmem>> -> memref<128x32xf32, #tpu.memory_space<vmem>>
        %dma_start3A_376 = arith.constant 0 : i32
        %dma_start3A_377 = tpu.memref_slice %arg5[%add3A_370, %dma_start3A_376] : memref<50x128xi32, #tpu.memory_space<vmem>> -> memref<1x128xi32, #tpu.memory_space<vmem>>
        %dma_start3A_378 = tpu.memref_squeeze %dma_start3A_377 : memref<1x128xi32, #tpu.memory_space<vmem>> -> memref<128xi32, #tpu.memory_space<vmem>>
        %dma_start3A_379 = arith.constant 0 : i32
        %dma_start3A_380 = arith.constant 0 : i32
        %dma_start3A_381 = tpu.memref_slice %arg3[%dma_start3A_379, %dma_start3A_380] : memref<1000000x32xf32, #tpu.memory_space<hbm>> -> memref<1000000x32xf32, #tpu.memory_space<hbm>>
        tpu.enqueue_indirect_dma source(%dma_start3A_381 : memref<1000000x32xf32, #tpu.memory_space<hbm>>) target(%dma_start3A_375 : memref<128x32xf32, #tpu.memory_space<vmem>>) offsets(%dma_start3A_378 : memref<128xi32, #tpu.memory_space<vmem>>) semaphore(%arg8 : memref<!tpu.dma_semaphore, #tpu.memory_space<semaphore_mem>>)
        %mul3A_382 = arith.constant 10 : i32
        %mul3A_383 = arith.muli %scan3A_182, %mul3A_382 : i32
        %add3A_384 = arith.constant 5 : i32
        %add3A_385 = arith.addi %mul3A_383, %add3A_384 : i32
        %dma_start3A_386 = arith.constant 1 : i32
        %dma_start3A_387 = arith.constant 640 : i32
        %dma_start3A_388 = arith.constant 0 : i32
        %dma_start3A_389 = tpu.memref_slice %arg6[%dma_start3A_386, %dma_start3A_387, %dma_start3A_388] : memref<2x1280x32xf32, #tpu.memory_space<vmem>> -> memref<1x128x32xf32, #tpu.memory_space<vmem>>
        %dma_start3A_390 = tpu.memref_squeeze %dma_start3A_389 : memref<1x128x32xf32, #tpu.memory_space<vmem>> -> memref<128x32xf32, #tpu.memory_space<vmem>>
        %dma_start3A_391 = arith.constant 0 : i32
        %dma_start3A_392 = tpu.memref_slice %arg5[%add3A_385, %dma_start3A_391] : memref<50x128xi32, #tpu.memory_space<vmem>> -> memref<1x128xi32, #tpu.memory_space<vmem>>
        %dma_start3A_393 = tpu.memref_squeeze %dma_start3A_392 : memref<1x128xi32, #tpu.memory_space<vmem>> -> memref<128xi32, #tpu.memory_space<vmem>>
        %dma_start3A_394 = arith.constant 0 : i32
        %dma_start3A_395 = arith.constant 0 : i32
        %dma_start3A_396 = tpu.memref_slice %arg3[%dma_start3A_394, %dma_start3A_395] : memref<1000000x32xf32, #tpu.memory_space<hbm>> -> memref<1000000x32xf32, #tpu.memory_space<hbm>>
        tpu.enqueue_indirect_dma source(%dma_start3A_396 : memref<1000000x32xf32, #tpu.memory_space<hbm>>) target(%dma_start3A_390 : memref<128x32xf32, #tpu.memory_space<vmem>>) offsets(%dma_start3A_393 : memref<128xi32, #tpu.memory_space<vmem>>) semaphore(%arg8 : memref<!tpu.dma_semaphore, #tpu.memory_space<semaphore_mem>>)
        %mul3A_397 = arith.constant 10 : i32
        %mul3A_398 = arith.muli %scan3A_182, %mul3A_397 : i32
        %add3A_399 = arith.constant 6 : i32
        %add3A_400 = arith.addi %mul3A_398, %add3A_399 : i32
        %dma_start3A_401 = arith.constant 1 : i32
        %dma_start3A_402 = arith.constant 768 : i32
        %dma_start3A_403 = arith.constant 0 : i32
        %dma_start3A_404 = tpu.memref_slice %arg6[%dma_start3A_401, %dma_start3A_402, %dma_start3A_403] : memref<2x1280x32xf32, #tpu.memory_space<vmem>> -> memref<1x128x32xf32, #tpu.memory_space<vmem>>
        %dma_start3A_405 = tpu.memref_squeeze %dma_start3A_404 : memref<1x128x32xf32, #tpu.memory_space<vmem>> -> memref<128x32xf32, #tpu.memory_space<vmem>>
        %dma_start3A_406 = arith.constant 0 : i32
        %dma_start3A_407 = tpu.memref_slice %arg5[%add3A_400, %dma_start3A_406] : memref<50x128xi32, #tpu.memory_space<vmem>> -> memref<1x128xi32, #tpu.memory_space<vmem>>
        %dma_start3A_408 = tpu.memref_squeeze %dma_start3A_407 : memref<1x128xi32, #tpu.memory_space<vmem>> -> memref<128xi32, #tpu.memory_space<vmem>>
        %dma_start3A_409 = arith.constant 0 : i32
        %dma_start3A_410 = arith.constant 0 : i32
        %dma_start3A_411 = tpu.memref_slice %arg3[%dma_start3A_409, %dma_start3A_410] : memref<1000000x32xf32, #tpu.memory_space<hbm>> -> memref<1000000x32xf32, #tpu.memory_space<hbm>>
        tpu.enqueue_indirect_dma source(%dma_start3A_411 : memref<1000000x32xf32, #tpu.memory_space<hbm>>) target(%dma_start3A_405 : memref<128x32xf32, #tpu.memory_space<vmem>>) offsets(%dma_start3A_408 : memref<128xi32, #tpu.memory_space<vmem>>) semaphore(%arg8 : memref<!tpu.dma_semaphore, #tpu.memory_space<semaphore_mem>>)
        %mul3A_412 = arith.constant 10 : i32
        %mul3A_413 = arith.muli %scan3A_182, %mul3A_412 : i32
        %add3A_414 = arith.constant 7 : i32
        %add3A_415 = arith.addi %mul3A_413, %add3A_414 : i32
        %dma_start3A_416 = arith.constant 1 : i32
        %dma_start3A_417 = arith.constant 896 : i32
        %dma_start3A_418 = arith.constant 0 : i32
        %dma_start3A_419 = tpu.memref_slice %arg6[%dma_start3A_416, %dma_start3A_417, %dma_start3A_418] : memref<2x1280x32xf32, #tpu.memory_space<vmem>> -> memref<1x128x32xf32, #tpu.memory_space<vmem>>
        %dma_start3A_420 = tpu.memref_squeeze %dma_start3A_419 : memref<1x128x32xf32, #tpu.memory_space<vmem>> -> memref<128x32xf32, #tpu.memory_space<vmem>>
        %dma_start3A_421 = arith.constant 0 : i32
        %dma_start3A_422 = tpu.memref_slice %arg5[%add3A_415, %dma_start3A_421] : memref<50x128xi32, #tpu.memory_space<vmem>> -> memref<1x128xi32, #tpu.memory_space<vmem>>
        %dma_start3A_423 = tpu.memref_squeeze %dma_start3A_422 : memref<1x128xi32, #tpu.memory_space<vmem>> -> memref<128xi32, #tpu.memory_space<vmem>>
        %dma_start3A_424 = arith.constant 0 : i32
        %dma_start3A_425 = arith.constant 0 : i32
        %dma_start3A_426 = tpu.memref_slice %arg3[%dma_start3A_424, %dma_start3A_425] : memref<1000000x32xf32, #tpu.memory_space<hbm>> -> memref<1000000x32xf32, #tpu.memory_space<hbm>>
        tpu.enqueue_indirect_dma source(%dma_start3A_426 : memref<1000000x32xf32, #tpu.memory_space<hbm>>) target(%dma_start3A_420 : memref<128x32xf32, #tpu.memory_space<vmem>>) offsets(%dma_start3A_423 : memref<128xi32, #tpu.memory_space<vmem>>) semaphore(%arg8 : memref<!tpu.dma_semaphore, #tpu.memory_space<semaphore_mem>>)
        %mul3A_427 = arith.constant 10 : i32
        %mul3A_428 = arith.muli %scan3A_182, %mul3A_427 : i32
        %add3A_429 = arith.constant 8 : i32
        %add3A_430 = arith.addi %mul3A_428, %add3A_429 : i32
        %dma_start3A_431 = arith.constant 1 : i32
        %dma_start3A_432 = arith.constant 1024 : i32
        %dma_start3A_433 = arith.constant 0 : i32
        %dma_start3A_434 = tpu.memref_slice %arg6[%dma_start3A_431, %dma_start3A_432, %dma_start3A_433] : memref<2x1280x32xf32, #tpu.memory_space<vmem>> -> memref<1x128x32xf32, #tpu.memory_space<vmem>>
        %dma_start3A_435 = tpu.memref_squeeze %dma_start3A_434 : memref<1x128x32xf32, #tpu.memory_space<vmem>> -> memref<128x32xf32, #tpu.memory_space<vmem>>
        %dma_start3A_436 = arith.constant 0 : i32
        %dma_start3A_437 = tpu.memref_slice %arg5[%add3A_430, %dma_start3A_436] : memref<50x128xi32, #tpu.memory_space<vmem>> -> memref<1x128xi32, #tpu.memory_space<vmem>>
        %dma_start3A_438 = tpu.memref_squeeze %dma_start3A_437 : memref<1x128xi32, #tpu.memory_space<vmem>> -> memref<128xi32, #tpu.memory_space<vmem>>
        %dma_start3A_439 = arith.constant 0 : i32
        %dma_start3A_440 = arith.constant 0 : i32
        %dma_start3A_441 = tpu.memref_slice %arg3[%dma_start3A_439, %dma_start3A_440] : memref<1000000x32xf32, #tpu.memory_space<hbm>> -> memref<1000000x32xf32, #tpu.memory_space<hbm>>
        tpu.enqueue_indirect_dma source(%dma_start3A_441 : memref<1000000x32xf32, #tpu.memory_space<hbm>>) target(%dma_start3A_435 : memref<128x32xf32, #tpu.memory_space<vmem>>) offsets(%dma_start3A_438 : memref<128xi32, #tpu.memory_space<vmem>>) semaphore(%arg8 : memref<!tpu.dma_semaphore, #tpu.memory_space<semaphore_mem>>)
        %mul3A_442 = arith.constant 10 : i32
        %mul3A_443 = arith.muli %scan3A_182, %mul3A_442 : i32
        %add3A_444 = arith.constant 9 : i32
        %add3A_445 = arith.addi %mul3A_443, %add3A_444 : i32
        %dma_start3A_446 = arith.constant 1 : i32
        %dma_start3A_447 = arith.constant 1152 : i32
        %dma_start3A_448 = arith.constant 0 : i32
        %dma_start3A_449 = tpu.memref_slice %arg6[%dma_start3A_446, %dma_start3A_447, %dma_start3A_448] : memref<2x1280x32xf32, #tpu.memory_space<vmem>> -> memref<1x128x32xf32, #tpu.memory_space<vmem>>
        %dma_start3A_450 = tpu.memref_squeeze %dma_start3A_449 : memref<1x128x32xf32, #tpu.memory_space<vmem>> -> memref<128x32xf32, #tpu.memory_space<vmem>>
        %dma_start3A_451 = arith.constant 0 : i32
        %dma_start3A_452 = tpu.memref_slice %arg5[%add3A_445, %dma_start3A_451] : memref<50x128xi32, #tpu.memory_space<vmem>> -> memref<1x128xi32, #tpu.memory_space<vmem>>
        %dma_start3A_453 = tpu.memref_squeeze %dma_start3A_452 : memref<1x128xi32, #tpu.memory_space<vmem>> -> memref<128xi32, #tpu.memory_space<vmem>>
        %dma_start3A_454 = arith.constant 0 : i32
        %dma_start3A_455 = arith.constant 0 : i32
        %dma_start3A_456 = tpu.memref_slice %arg3[%dma_start3A_454, %dma_start3A_455] : memref<1000000x32xf32, #tpu.memory_space<hbm>> -> memref<1000000x32xf32, #tpu.memory_space<hbm>>
        tpu.enqueue_indirect_dma source(%dma_start3A_456 : memref<1000000x32xf32, #tpu.memory_space<hbm>>) target(%dma_start3A_450 : memref<128x32xf32, #tpu.memory_space<vmem>>) offsets(%dma_start3A_453 : memref<128xi32, #tpu.memory_space<vmem>>) semaphore(%arg8 : memref<!tpu.dma_semaphore, #tpu.memory_space<semaphore_mem>>)
      } else {
      }
      %sub3A = arith.constant 1 : i32
      %sub3A_220 = arith.subi %scan3A_182, %sub3A : i32
      %jit3A_221 = arith.constant 2 : i32
      %eq3A_222 = arith.constant 0 : i32
      %eq3A_223 = arith.cmpi eq, %jit3A_221, %eq3A_222 : i32
      %jit3A_224 = arith.constant 1 : i32
      %select_n3A_225 = arith.select %eq3A_223, %jit3A_224, %jit3A_221 : i32
      %rem3A_226 = arith.remsi %sub3A_220, %select_n3A_225 : i32
      %ne3A_227 = arith.constant 0 : i32
      %ne3A_228 = arith.cmpi ne, %rem3A_226, %ne3A_227 : i32
      %lt3A_229 = arith.constant 0 : i32
      %lt3A_230 = arith.cmpi slt, %rem3A_226, %lt3A_229 : i32
      %lt3A_231 = arith.constant 0 : i32
      %lt3A_232 = arith.cmpi slt, %select_n3A_225, %lt3A_231 : i32
      %ne3A_233 = arith.xori %lt3A_230, %lt3A_232 : i1
      %and3A_234 = arith.andi %ne3A_233, %ne3A_228 : i1
      %add3A_235 = arith.addi %rem3A_226, %select_n3A_225 : i32
      %select_n3A_236 = arith.select %and3A_234, %add3A_235, %rem3A_226 : i32
      %eq3A_237 = arith.constant 0 : i32
      %eq3A_238 = arith.cmpi eq, %select_n3A_236, %eq3A_237 : i32
      %convert_element_type3A_239 = arith.extui %eq3A_238 : i1 to i32
      %cond3A_240 = arith.constant 0 : i32
      %cond3A_241 = arith.cmpi ne, %convert_element_type3A_239, %cond3A_240 : i32
      scf.if %cond3A_241 {
        %dma_wait3A_307 = arith.constant 0 : i32
        %dma_wait3A_308 = arith.constant 0 : i32
        %dma_wait3A_309 = arith.constant 0 : i32
        %dma_wait3A_310 = tpu.memref_slice %arg6[%dma_wait3A_307, %dma_wait3A_308, %dma_wait3A_309] : memref<2x1280x32xf32, #tpu.memory_space<vmem>> -> memref<1x1280x32xf32, #tpu.memory_space<vmem>>
        %dma_wait3A_311 = tpu.memref_squeeze %dma_wait3A_310 : memref<1x1280x32xf32, #tpu.memory_space<vmem>> -> memref<1280x32xf32, #tpu.memory_space<vmem>>
        %dma_wait3A_312 = arith.constant 0 : i32
        %dma_wait3A_313 = arith.constant 0 : i32
        %dma_wait3A_314 = tpu.memref_slice %arg3[%dma_wait3A_312, %dma_wait3A_313] : memref<1000000x32xf32, #tpu.memory_space<hbm>> -> memref<1280x32xf32, #tpu.memory_space<hbm>>
        %dma_wait3A_315 = arith.constant 0 : i32
        %dma_wait3A_316 = arith.constant 0 : i32
        %dma_wait3A_317 = tpu.memref_slice %arg6[%dma_wait3A_307, %dma_wait3A_315, %dma_wait3A_316] : memref<2x1280x32xf32, #tpu.memory_space<vmem>> -> memref<1x1280x32xf32, #tpu.memory_space<vmem>>
        %dma_wait3A_318 = tpu.memref_squeeze %dma_wait3A_317 : memref<1x1280x32xf32, #tpu.memory_space<vmem>> -> memref<1280x32xf32, #tpu.memory_space<vmem>>
        %dma_wait3A_319 = arith.constant 0 : i32
        %dma_wait3A_320 = arith.constant 0 : i32
        %dma_wait3A_321 = tpu.memref_slice %arg3[%dma_wait3A_319, %dma_wait3A_320] : memref<1000000x32xf32, #tpu.memory_space<hbm>> -> memref<1280x32xf32, #tpu.memory_space<hbm>>
        tpu.wait_dma2 semaphore(%arg7 : memref<!tpu.dma_semaphore, #tpu.memory_space<semaphore_mem>>) src(%dma_wait3A_321 : memref<1280x32xf32, #tpu.memory_space<hbm>>) dst(%dma_wait3A_318 : memref<1280x32xf32, #tpu.memory_space<vmem>>)
      } else {
      }
      %jit3A_242 = arith.constant 2 : i32
      %eq3A_243 = arith.constant 0 : i32
      %eq3A_244 = arith.cmpi eq, %jit3A_242, %eq3A_243 : i32
      %jit3A_245 = arith.constant 1 : i32
      %select_n3A_246 = arith.select %eq3A_244, %jit3A_245, %jit3A_242 : i32
      %rem3A_247 = arith.remsi %sub3A_220, %select_n3A_246 : i32
      %ne3A_248 = arith.constant 0 : i32
      %ne3A_249 = arith.cmpi ne, %rem3A_247, %ne3A_248 : i32
      %lt3A_250 = arith.constant 0 : i32
      %lt3A_251 = arith.cmpi slt, %rem3A_247, %lt3A_250 : i32
      %lt3A_252 = arith.constant 0 : i32
      %lt3A_253 = arith.cmpi slt, %select_n3A_246, %lt3A_252 : i32
      %ne3A_254 = arith.xori %lt3A_251, %lt3A_253 : i1
      %and3A_255 = arith.andi %ne3A_254, %ne3A_249 : i1
      %add3A_256 = arith.addi %rem3A_247, %select_n3A_246 : i32
      %select_n3A_257 = arith.select %and3A_255, %add3A_256, %rem3A_247 : i32
      %eq3A_258 = arith.constant 1 : i32
      %eq3A_259 = arith.cmpi eq, %select_n3A_257, %eq3A_258 : i32
      %convert_element_type3A_260 = arith.extui %eq3A_259 : i1 to i32
      %cond3A_261 = arith.constant 0 : i32
      %cond3A_262 = arith.cmpi ne, %convert_element_type3A_260, %cond3A_261 : i32
      scf.if %cond3A_262 {
        %dma_wait3A_307 = arith.constant 1 : i32
        %dma_wait3A_308 = arith.constant 0 : i32
        %dma_wait3A_309 = arith.constant 0 : i32
        %dma_wait3A_310 = tpu.memref_slice %arg6[%dma_wait3A_307, %dma_wait3A_308, %dma_wait3A_309] : memref<2x1280x32xf32, #tpu.memory_space<vmem>> -> memref<1x1280x32xf32, #tpu.memory_space<vmem>>
        %dma_wait3A_311 = tpu.memref_squeeze %dma_wait3A_310 : memref<1x1280x32xf32, #tpu.memory_space<vmem>> -> memref<1280x32xf32, #tpu.memory_space<vmem>>
        %dma_wait3A_312 = arith.constant 0 : i32
        %dma_wait3A_313 = arith.constant 0 : i32
        %dma_wait3A_314 = tpu.memref_slice %arg3[%dma_wait3A_312, %dma_wait3A_313] : memref<1000000x32xf32, #tpu.memory_space<hbm>> -> memref<1280x32xf32, #tpu.memory_space<hbm>>
        %dma_wait3A_315 = arith.constant 0 : i32
        %dma_wait3A_316 = arith.constant 0 : i32
        %dma_wait3A_317 = tpu.memref_slice %arg6[%dma_wait3A_307, %dma_wait3A_315, %dma_wait3A_316] : memref<2x1280x32xf32, #tpu.memory_space<vmem>> -> memref<1x1280x32xf32, #tpu.memory_space<vmem>>
        %dma_wait3A_318 = tpu.memref_squeeze %dma_wait3A_317 : memref<1x1280x32xf32, #tpu.memory_space<vmem>> -> memref<1280x32xf32, #tpu.memory_space<vmem>>
        %dma_wait3A_319 = arith.constant 0 : i32
        %dma_wait3A_320 = arith.constant 0 : i32
        %dma_wait3A_321 = tpu.memref_slice %arg3[%dma_wait3A_319, %dma_wait3A_320] : memref<1000000x32xf32, #tpu.memory_space<hbm>> -> memref<1280x32xf32, #tpu.memory_space<hbm>>
        tpu.wait_dma2 semaphore(%arg8 : memref<!tpu.dma_semaphore, #tpu.memory_space<semaphore_mem>>) src(%dma_wait3A_321 : memref<1280x32xf32, #tpu.memory_space<hbm>>) dst(%dma_wait3A_318 : memref<1280x32xf32, #tpu.memory_space<vmem>>)
      } else {
      }
      %sub3A_263 = arith.constant 1 : i32
      %sub3A_264 = arith.subi %scan3A_182, %sub3A_263 : i32
      %jit3A_265 = arith.constant 2 : i32
      %eq3A_266 = arith.constant 0 : i32
      %eq3A_267 = arith.cmpi eq, %jit3A_265, %eq3A_266 : i32
      %jit3A_268 = arith.constant 1 : i32
      %select_n3A_269 = arith.select %eq3A_267, %jit3A_268, %jit3A_265 : i32
      %rem3A_270 = arith.remsi %sub3A_264, %select_n3A_269 : i32
      %ne3A_271 = arith.constant 0 : i32
      %ne3A_272 = arith.cmpi ne, %rem3A_270, %ne3A_271 : i32
      %lt3A_273 = arith.constant 0 : i32
      %lt3A_274 = arith.cmpi slt, %rem3A_270, %lt3A_273 : i32
      %lt3A_275 = arith.constant 0 : i32
      %lt3A_276 = arith.cmpi slt, %select_n3A_269, %lt3A_275 : i32
      %ne3A_277 = arith.xori %lt3A_274, %lt3A_276 : i1
      %and3A_278 = arith.andi %ne3A_277, %ne3A_272 : i1
      %add3A_279 = arith.addi %rem3A_270, %select_n3A_269 : i32
      %select_n3A_280 = arith.select %and3A_278, %add3A_279, %rem3A_270 : i32
      %eq3A_281 = arith.constant 0 : i32
      %eq3A_282 = arith.cmpi eq, %select_n3A_280, %eq3A_281 : i32
      %convert_element_type3A_283 = arith.extui %eq3A_282 : i1 to i32
      %cond3A_284 = arith.constant 0 : i32
      %cond3A_285 = arith.cmpi ne, %convert_element_type3A_283, %cond3A_284 : i32
      scf.if %cond3A_285 {
        %sub3A_307 = arith.constant 1 : i32
        %sub3A_308 = arith.subi %scan3A_182, %sub3A_307 : i32
        %mul3A_309 = arith.constant 1280 : i32
        %mul3A_310 = arith.muli %sub3A_308, %mul3A_309 : i32
        %add3A_311 = arith.addi %mul3A_2, %mul3A_310 : i32
        %dma_start3A_312 = arith.constant 0 : i32
        %dma_start3A_313 = arith.constant 0 : i32
        %dma_start3A_314 = arith.constant 0 : i32
        %dma_start3A_315 = tpu.memref_slice %arg6[%dma_start3A_312, %dma_start3A_313, %dma_start3A_314] : memref<2x1280x32xf32, #tpu.memory_space<vmem>> -> memref<1x1280x32xf32, #tpu.memory_space<vmem>>
        %dma_start3A_316 = tpu.memref_squeeze %dma_start3A_315 : memref<1x1280x32xf32, #tpu.memory_space<vmem>> -> memref<1280x32xf32, #tpu.memory_space<vmem>>
        %dma_start3A_317 = arith.constant 0 : i32
        %dma_start3A_318 = tpu.memref_slice %arg4[%add3A_311, %dma_start3A_317] : memref<204800x32xf32, #tpu.memory_space<hbm>> -> memref<1280x32xf32, #tpu.memory_space<hbm>>
        %dma_start3A_319 = arith.constant 0 : i32
        %dma_start3A_320 = tpu.memref_slice %arg4[%add3A_311, %dma_start3A_319] : memref<204800x32xf32, #tpu.memory_space<hbm>> -> memref<1280x32xf32, #tpu.memory_space<hbm>>
        %dma_start3A_321 = arith.constant 0 : i32
        %dma_start3A_322 = arith.constant 0 : i32
        %dma_start3A_323 = tpu.memref_slice %arg6[%dma_start3A_312, %dma_start3A_321, %dma_start3A_322] : memref<2x1280x32xf32, #tpu.memory_space<vmem>> -> memref<1x1280x32xf32, #tpu.memory_space<vmem>>
        %dma_start3A_324 = tpu.memref_squeeze %dma_start3A_323 : memref<1x1280x32xf32, #tpu.memory_space<vmem>> -> memref<1280x32xf32, #tpu.memory_space<vmem>>
        tpu.enqueue_dma source(%dma_start3A_324 : memref<1280x32xf32, #tpu.memory_space<vmem>>) target(%dma_start3A_320 : memref<1280x32xf32, #tpu.memory_space<hbm>>) target_semaphore(%arg9 : memref<!tpu.dma_semaphore, #tpu.memory_space<semaphore_mem>>)
      } else {
      }
      %jit3A_286 = arith.constant 2 : i32
      %eq3A_287 = arith.constant 0 : i32
      %eq3A_288 = arith.cmpi eq, %jit3A_286, %eq3A_287 : i32
      %jit3A_289 = arith.constant 1 : i32
      %select_n3A_290 = arith.select %eq3A_288, %jit3A_289, %jit3A_286 : i32
      %rem3A_291 = arith.remsi %sub3A_264, %select_n3A_290 : i32
      %ne3A_292 = arith.constant 0 : i32
      %ne3A_293 = arith.cmpi ne, %rem3A_291, %ne3A_292 : i32
      %lt3A_294 = arith.constant 0 : i32
      %lt3A_295 = arith.cmpi slt, %rem3A_291, %lt3A_294 : i32
      %lt3A_296 = arith.constant 0 : i32
      %lt3A_297 = arith.cmpi slt, %select_n3A_290, %lt3A_296 : i32
      %ne3A_298 = arith.xori %lt3A_295, %lt3A_297 : i1
      %and3A_299 = arith.andi %ne3A_298, %ne3A_293 : i1
      %add3A_300 = arith.addi %rem3A_291, %select_n3A_290 : i32
      %select_n3A_301 = arith.select %and3A_299, %add3A_300, %rem3A_291 : i32
      %eq3A_302 = arith.constant 1 : i32
      %eq3A_303 = arith.cmpi eq, %select_n3A_301, %eq3A_302 : i32
      %convert_element_type3A_304 = arith.extui %eq3A_303 : i1 to i32
      %cond3A_305 = arith.constant 0 : i32
      %cond3A_306 = arith.cmpi ne, %convert_element_type3A_304, %cond3A_305 : i32
      scf.if %cond3A_306 {
        %sub3A_307 = arith.constant 1 : i32
        %sub3A_308 = arith.subi %scan3A_182, %sub3A_307 : i32
        %mul3A_309 = arith.constant 1280 : i32
        %mul3A_310 = arith.muli %sub3A_308, %mul3A_309 : i32
        %add3A_311 = arith.addi %mul3A_2, %mul3A_310 : i32
        %dma_start3A_312 = arith.constant 1 : i32
        %dma_start3A_313 = arith.constant 0 : i32
        %dma_start3A_314 = arith.constant 0 : i32
        %dma_start3A_315 = tpu.memref_slice %arg6[%dma_start3A_312, %dma_start3A_313, %dma_start3A_314] : memref<2x1280x32xf32, #tpu.memory_space<vmem>> -> memref<1x1280x32xf32, #tpu.memory_space<vmem>>
        %dma_start3A_316 = tpu.memref_squeeze %dma_start3A_315 : memref<1x1280x32xf32, #tpu.memory_space<vmem>> -> memref<1280x32xf32, #tpu.memory_space<vmem>>
        %dma_start3A_317 = arith.constant 0 : i32
        %dma_start3A_318 = tpu.memref_slice %arg4[%add3A_311, %dma_start3A_317] : memref<204800x32xf32, #tpu.memory_space<hbm>> -> memref<1280x32xf32, #tpu.memory_space<hbm>>
        %dma_start3A_319 = arith.constant 0 : i32
        %dma_start3A_320 = tpu.memref_slice %arg4[%add3A_311, %dma_start3A_319] : memref<204800x32xf32, #tpu.memory_space<hbm>> -> memref<1280x32xf32, #tpu.memory_space<hbm>>
        %dma_start3A_321 = arith.constant 0 : i32
        %dma_start3A_322 = arith.constant 0 : i32
        %dma_start3A_323 = tpu.memref_slice %arg6[%dma_start3A_312, %dma_start3A_321, %dma_start3A_322] : memref<2x1280x32xf32, #tpu.memory_space<vmem>> -> memref<1x1280x32xf32, #tpu.memory_space<vmem>>
        %dma_start3A_324 = tpu.memref_squeeze %dma_start3A_323 : memref<1x1280x32xf32, #tpu.memory_space<vmem>> -> memref<1280x32xf32, #tpu.memory_space<vmem>>
        tpu.enqueue_dma source(%dma_start3A_324 : memref<1280x32xf32, #tpu.memory_space<vmem>>) target(%dma_start3A_320 : memref<1280x32xf32, #tpu.memory_space<hbm>>) target_semaphore(%arg10 : memref<!tpu.dma_semaphore, #tpu.memory_space<semaphore_mem>>)
      } else {
      }
    }
    %scan3A_126 = arith.constant 4 : i32
    %dma_wait3A = arith.constant 0 : i32
    %dma_wait3A_127 = arith.constant 0 : i32
    %dma_wait3A_128 = arith.constant 0 : i32
    %dma_wait3A_129 = tpu.memref_slice %arg6[%dma_wait3A, %dma_wait3A_127, %dma_wait3A_128] : memref<2x1280x32xf32, #tpu.memory_space<vmem>> -> memref<1x1280x32xf32, #tpu.memory_space<vmem>>
    %dma_wait3A_130 = tpu.memref_squeeze %dma_wait3A_129 : memref<1x1280x32xf32, #tpu.memory_space<vmem>> -> memref<1280x32xf32, #tpu.memory_space<vmem>>
    %dma_wait3A_131 = arith.constant 0 : i32
    %dma_wait3A_132 = arith.constant 0 : i32
    %dma_wait3A_133 = tpu.memref_slice %arg3[%dma_wait3A_131, %dma_wait3A_132] : memref<1000000x32xf32, #tpu.memory_space<hbm>> -> memref<1280x32xf32, #tpu.memory_space<hbm>>
    %dma_wait3A_134 = arith.constant 0 : i32
    %dma_wait3A_135 = arith.constant 0 : i32
    %dma_wait3A_136 = tpu.memref_slice %arg6[%dma_wait3A, %dma_wait3A_134, %dma_wait3A_135] : memref<2x1280x32xf32, #tpu.memory_space<vmem>> -> memref<1x1280x32xf32, #tpu.memory_space<vmem>>
    %dma_wait3A_137 = tpu.memref_squeeze %dma_wait3A_136 : memref<1x1280x32xf32, #tpu.memory_space<vmem>> -> memref<1280x32xf32, #tpu.memory_space<vmem>>
    %dma_wait3A_138 = arith.constant 0 : i32
    %dma_wait3A_139 = arith.constant 0 : i32
    %dma_wait3A_140 = tpu.memref_slice %arg3[%dma_wait3A_138, %dma_wait3A_139] : memref<1000000x32xf32, #tpu.memory_space<hbm>> -> memref<1280x32xf32, #tpu.memory_space<hbm>>
    tpu.wait_dma2 semaphore(%arg7 : memref<!tpu.dma_semaphore, #tpu.memory_space<semaphore_mem>>) src(%dma_wait3A_140 : memref<1280x32xf32, #tpu.memory_space<hbm>>) dst(%dma_wait3A_137 : memref<1280x32xf32, #tpu.memory_space<vmem>>)
    %add3A_141 = arith.constant 5120 : i32
    %add3A_142 = arith.addi %mul3A_2, %add3A_141 : i32
    %dma_start3A_143 = arith.constant 0 : i32
    %dma_start3A_144 = arith.constant 0 : i32
    %dma_start3A_145 = arith.constant 0 : i32
    %dma_start3A_146 = tpu.memref_slice %arg6[%dma_start3A_143, %dma_start3A_144, %dma_start3A_145] : memref<2x1280x32xf32, #tpu.memory_space<vmem>> -> memref<1x1280x32xf32, #tpu.memory_space<vmem>>
    %dma_start3A_147 = tpu.memref_squeeze %dma_start3A_146 : memref<1x1280x32xf32, #tpu.memory_space<vmem>> -> memref<1280x32xf32, #tpu.memory_space<vmem>>
    %dma_start3A_148 = arith.constant 0 : i32
    %dma_start3A_149 = tpu.memref_slice %arg4[%add3A_142, %dma_start3A_148] : memref<204800x32xf32, #tpu.memory_space<hbm>> -> memref<1280x32xf32, #tpu.memory_space<hbm>>
    %dma_start3A_150 = arith.constant 0 : i32
    %dma_start3A_151 = tpu.memref_slice %arg4[%add3A_142, %dma_start3A_150] : memref<204800x32xf32, #tpu.memory_space<hbm>> -> memref<1280x32xf32, #tpu.memory_space<hbm>>
    %dma_start3A_152 = arith.constant 0 : i32
    %dma_start3A_153 = arith.constant 0 : i32
    %dma_start3A_154 = tpu.memref_slice %arg6[%dma_start3A_143, %dma_start3A_152, %dma_start3A_153] : memref<2x1280x32xf32, #tpu.memory_space<vmem>> -> memref<1x1280x32xf32, #tpu.memory_space<vmem>>
    %dma_start3A_155 = tpu.memref_squeeze %dma_start3A_154 : memref<1x1280x32xf32, #tpu.memory_space<vmem>> -> memref<1280x32xf32, #tpu.memory_space<vmem>>
    tpu.enqueue_dma source(%dma_start3A_155 : memref<1280x32xf32, #tpu.memory_space<vmem>>) target(%dma_start3A_151 : memref<1280x32xf32, #tpu.memory_space<hbm>>) target_semaphore(%arg9 : memref<!tpu.dma_semaphore, #tpu.memory_space<semaphore_mem>>)
    %dma_wait3A_156 = arith.constant 1 : i32
    %dma_wait3A_157 = arith.constant 0 : i32
    %dma_wait3A_158 = arith.constant 0 : i32
    %dma_wait3A_159 = tpu.memref_slice %arg6[%dma_wait3A_156, %dma_wait3A_157, %dma_wait3A_158] : memref<2x1280x32xf32, #tpu.memory_space<vmem>> -> memref<1x1280x32xf32, #tpu.memory_space<vmem>>
    %dma_wait3A_160 = tpu.memref_squeeze %dma_wait3A_159 : memref<1x1280x32xf32, #tpu.memory_space<vmem>> -> memref<1280x32xf32, #tpu.memory_space<vmem>>
    %dma_wait3A_161 = arith.constant 0 : i32
    %dma_wait3A_162 = tpu.memref_slice %arg4[%mul3A_2, %dma_wait3A_161] : memref<204800x32xf32, #tpu.memory_space<hbm>> -> memref<1280x32xf32, #tpu.memory_space<hbm>>
    %dma_wait3A_163 = arith.constant 0 : i32
    %dma_wait3A_164 = tpu.memref_slice %arg4[%mul3A_2, %dma_wait3A_163] : memref<204800x32xf32, #tpu.memory_space<hbm>> -> memref<1280x32xf32, #tpu.memory_space<hbm>>
    %dma_wait3A_165 = arith.constant 0 : i32
    %dma_wait3A_166 = arith.constant 0 : i32
    %dma_wait3A_167 = tpu.memref_slice %arg6[%dma_wait3A_156, %dma_wait3A_165, %dma_wait3A_166] : memref<2x1280x32xf32, #tpu.memory_space<vmem>> -> memref<1x1280x32xf32, #tpu.memory_space<vmem>>
    %dma_wait3A_168 = tpu.memref_squeeze %dma_wait3A_167 : memref<1x1280x32xf32, #tpu.memory_space<vmem>> -> memref<1280x32xf32, #tpu.memory_space<vmem>>
    tpu.wait_dma2 semaphore(%arg10 : memref<!tpu.dma_semaphore, #tpu.memory_space<semaphore_mem>>) src(%dma_wait3A_168 : memref<1280x32xf32, #tpu.memory_space<vmem>>) dst(%dma_wait3A_164 : memref<1280x32xf32, #tpu.memory_space<hbm>>)
    %dma_wait3A_169 = arith.constant 0 : i32
    %dma_wait3A_170 = arith.constant 0 : i32
    %dma_wait3A_171 = arith.constant 0 : i32
    %dma_wait3A_172 = tpu.memref_slice %arg6[%dma_wait3A_169, %dma_wait3A_170, %dma_wait3A_171] : memref<2x1280x32xf32, #tpu.memory_space<vmem>> -> memref<1x1280x32xf32, #tpu.memory_space<vmem>>
    %dma_wait3A_173 = tpu.memref_squeeze %dma_wait3A_172 : memref<1x1280x32xf32, #tpu.memory_space<vmem>> -> memref<1280x32xf32, #tpu.memory_space<vmem>>
    %dma_wait3A_174 = arith.constant 0 : i32
    %dma_wait3A_175 = tpu.memref_slice %arg4[%mul3A_2, %dma_wait3A_174] : memref<204800x32xf32, #tpu.memory_space<hbm>> -> memref<1280x32xf32, #tpu.memory_space<hbm>>
    %dma_wait3A_176 = arith.constant 0 : i32
    %dma_wait3A_177 = tpu.memref_slice %arg4[%mul3A_2, %dma_wait3A_176] : memref<204800x32xf32, #tpu.memory_space<hbm>> -> memref<1280x32xf32, #tpu.memory_space<hbm>>
    %dma_wait3A_178 = arith.constant 0 : i32
    %dma_wait3A_179 = arith.constant 0 : i32
    %dma_wait3A_180 = tpu.memref_slice %arg6[%dma_wait3A_169, %dma_wait3A_178, %dma_wait3A_179] : memref<2x1280x32xf32, #tpu.memory_space<vmem>> -> memref<1x1280x32xf32, #tpu.memory_space<vmem>>
    %dma_wait3A_181 = tpu.memref_squeeze %dma_wait3A_180 : memref<1x1280x32xf32, #tpu.memory_space<vmem>> -> memref<1280x32xf32, #tpu.memory_space<vmem>>
    tpu.wait_dma2 semaphore(%arg9 : memref<!tpu.dma_semaphore, #tpu.memory_space<semaphore_mem>>) src(%dma_wait3A_181 : memref<1280x32xf32, #tpu.memory_space<vmem>>) dst(%dma_wait3A_177 : memref<1280x32xf32, #tpu.memory_space<hbm>>)
    return
  }
}

</mosaic_0001>

<sc_bundles>
// kernel: kernel.3.cloned.1.call-start
scs
__scs_entry_jumppad:
0x0: {  	(pc) =	sbr.rel $0x88, $3  }
0x1: {  	(tag) =	ssettag $0x0;
	lr =	simm.s32 $0x1  }
0x2: {  	[smem:$0x3F9F] =	sst lr;
	_ =	strace $0xD0000000  }
0x3: {  	_ = 	snop  }
0x4: {  	_ = 	snop  }
0x5: {  	_ = 	snop  }
0x6: {  	_ = 	snop  }
0x7: {  	_ = 	snop  }
__scs_overlays_trampoline_lowered:
0x8: {  	[smem:$0x3FAE] =	sst s0  }
0x9: {  	[smem:$0x3FAF] =	sst s1  }
0xa: {  	[smem:$0x3FB0] =	sst s2  }
0xb: {  	[smem:$0x3FB1] =	sst s3  }
0xc: {  	[smem:$0x3FB2] =	sst s4  }
0xd: {  	[smem:$0x3FB3] =	sst s5  }
0xe: {  	[smem:$0x3FB4] =	sst s6  }
0xf: {  	[smem:$0x3FB5] =	sst s7  }
0x10: {  	[smem:$0x3FB6] =	sst s8  }
0x11: {  	[smem:$0x3FB7] =	sst s9;
	s0 =	simm.s32 @!p0 $0x0  }
0x12: {  	s1 =	sld [smem:$0x3F9D];
	s0 =	simm.s32 @p0 $0x1  }
0x13: {  	[smem:$0x3FB8] =	sst s0;
	s0 =	simm.s32 @!p1 $0x0  }
0x14: {  	s2 =	sld [smem:$0x3F9C];
	s0 =	simm.s32 @p1 $0x1  }
0x15: {  	[smem:$0x3FB9] =	sst s0;
	s0 =	simm.s32 @!p2 $0x0  }
0x16: {  	s3 =	sld [smem:$0x3FDB];
	s0 =	simm.s32 @p2 $0x1  }
0x17: {  	s4 =	simm.s32 $0x1BF5;
	[smem:$0x3FBB] =	sst s0  }
0x18: {  	s0 =	sld [smem:$0x3F9E];
	_ =	swait.ge [sflag:s4], $0x0  }
0x19: {  	s7 =	sld [smem:$0x3F9F]  }
0x1a: {  	s8 =	sadd.s32 $0xFFFFE003, lr  }
0x1b: {  	s9 =	sadd.s32 $0xFFFFFEF7, lr;
	s5 =	simm.s32 $0xFFFFFFFF;
	p2 =	slt.u32 s8, $0xFFFFF086  }
0x1c: {  	p1 =	slt.u32 s9, $0xF7A;
	s5 =	simm.s32 @!p2 $0x0  }
0x1d: {  	s5 =	simm.s32 @p1 $0x1;
	p0 =	seq.s32 s7, s2  }
0x1e: {  	s7 =	smul.u32 @!p0 $0xF7A, s2;
	p2 =	seq.s32 @!p0 s5, $0x0  }
0x1f: {  	s9 =	smul.u32 $0xF7A, s1;
	s8 =	simm.s32 @!p0 $0x1BF5;
	p2 =	por !p2, p0  }
0x20: {  	[sflag:s8] =	ssyncset.s32 @!p0 $0xFFFFF086;
	s6 =	sadd.s32 @!p0 s3, s7;
	s7 =	simm.s32 @!p0 $0x108  }
0x21: {  	s3 =	sadd.s32 s3, s9;
	s6 =	sadd.s32 @!p0 $0x88, s6;
	s7 =	simm.s32 @p2 $0x1082  }
0x22: {  	[simem:s7], [sflag:s8] =	dma.local @!p0 [hbm:s6], $0xF7A  }
0x23: {  	s9 =	sor.u32 $0xD0000000, s2;
	s6 =	simm.s32 $0x108;
	_ =	swait.ge @!p0 [sflag:s8], $0x0  }
0x24: {  	s3 =	sadd.s32 $0x88, s3;
	s6 =	simm.s32 @!p1 $0x1082;
	[sflag:s4] =	ssyncset.s32 $0xFFFFF086  }
0x25: {  	[simem:s6], [sflag:s4] =	dma.local [hbm:s3], $0xF7A  }
0x26: {  	[smem:$0x3F9F] =	sst s1;
	(tag) =	ssettag s2;
	_ =	strace s9  }
0x27: {  	s1 =	sld [smem:$0x3FAF]  }
0x28: {  	s2 =	sld [smem:$0x3FB0]  }
0x29: {  	s4 =	sld [smem:$0x3FB2]  }
0x2a: {  	p0 =	seq.s32 s5, $0x0;
	s5 =	sld [smem:$0x3FB3]  }
0x2b: {  	s6 =	sld [smem:$0x3FB4]  }
0x2c: {  	s7 =	sld [smem:$0x3FB5]  }
0x2d: {  	s3 =	simm.s32 $0x108;
	s8 =	sld [smem:$0x3FB6]  }
0x2e: {  	s3 =	simm.s32 @!p0 $0x1082;
	s9 =	sld [smem:$0x3FB7]  }
0x2f: {  	lr =	sadd.s32 s0, s3;
	s0 =	sld [smem:$0x3FAE]  }
0x30: {  	s3 =	sld [smem:$0x3FB1]  }
0x31: {  	[smem:$0x3FBA] =	sst s10  }
0x32: {  	s10 =	sld [smem:$0x3FB8];
	_ =	sdelay $0x3  }
0x33: {  	p0 =	seq.s32 s10, $0x1;
	s10 =	sld [smem:$0x3FBA];
	_ =	sdelay $0x3  }
0x34: {  	[smem:$0x3FBA] =	sst s10  }
0x35: {  	s10 =	sld [smem:$0x3FB9];
	_ =	sdelay $0x3  }
0x36: {  	p1 =	seq.s32 s10, $0x1;
	s10 =	sld [smem:$0x3FBA];
	_ =	sdelay $0x3  }
0x37: {  	[smem:$0x3FBA] =	sst s10  }
0x38: {  	s10 =	sld [smem:$0x3FBB]  }
0x39: {  	_ = 	snop;
	(pc) =	sbr.ind lr, $3  }
0x3a: {  	_ = 	snop  }
0x3b: {  	_ = 	snop  }
0x3c: {  	p2 =	seq.s32 s10, $0x1;
	s10 =	sld [smem:$0x3FBA]  }
0x3d: {  	_ =	shalt  }
0x3e: {  	_ =	shalt  }
0x3f: {  	_ =	shalt  }
0x40: {  	_ =	shalt  }
0x41: {  	_ =	shalt  }
0x42: {  	_ =	shalt  }
0x43: {  	_ =	shalt  }
0x44: {  	_ =	shalt  }
0x45: {  	_ =	shalt  }
0x46: {  	_ =	shalt  }
0x47: {  	_ =	shalt  }
0x48: {  	_ =	shalt  }
0x49: {  	_ =	shalt  }
0x4a: {  	_ =	shalt  }
0x4b: {  	_ =	shalt  }
0x4c: {  	_ =	shalt  }
0x4d: {  	_ =	shalt  }
0x4e: {  	_ =	shalt  }
0x4f: {  	_ =	shalt  }
0x50: {  	_ =	shalt  }
0x51: {  	_ =	shalt  }
0x52: {  	_ =	shalt  }
0x53: {  	_ =	shalt  }
0x54: {  	_ =	shalt  }
0x55: {  	_ =	shalt  }
0x56: {  	_ =	shalt  }
0x57: {  	_ =	shalt  }
0x58: {  	_ =	shalt  }
0x59: {  	_ =	shalt  }
0x5a: {  	_ =	shalt  }
0x5b: {  	_ =	shalt  }
0x5c: {  	_ =	shalt  }
0x5d: {  	_ =	shalt  }
0x5e: {  	_ =	shalt  }
0x5f: {  	_ =	shalt  }
0x60: {  	_ =	shalt  }
0x61: {  	_ =	shalt  }
0x62: {  	_ =	shalt  }
0x63: {  	_ =	shalt  }
0x64: {  	_ =	shalt  }
0x65: {  	_ =	shalt  }
0x66: {  	_ =	shalt  }
0x67: {  	_ =	shalt  }
0x68: {  	_ =	shalt  }
0x69: {  	_ =	shalt  }
0x6a: {  	_ =	shalt  }
0x6b: {  	_ =	shalt  }
0x6c: {  	_ =	shalt  }
0x6d: {  	_ =	shalt  }
0x6e: {  	_ =	shalt  }
0x6f: {  	_ =	shalt  }
0x70: {  	_ =	shalt  }
0x71: {  	_ =	shalt  }
0x72: {  	_ =	shalt  }
0x73: {  	_ =	shalt  }
0x74: {  	_ =	shalt  }
0x75: {  	_ =	shalt  }
0x76: {  	_ =	shalt  }
0x77: {  	_ =	shalt  }
0x78: {  	_ =	shalt  }
0x79: {  	_ =	shalt  }
0x7a: {  	_ =	shalt  }
0x7b: {  	_ =	shalt  }
0x7c: {  	_ =	shalt  }
0x7d: {  	_ =	shalt  }
0x7e: {  	_ =	shalt  }
0x7f: {  	_ =	shalt  }
0x80: {  	_ =	shalt  }
0x81: {  	_ =	shalt  }
0x82: {  	_ =	shalt  }
0x83: {  	_ =	shalt  }
0x84: {  	_ =	shalt  }
0x85: {  	_ =	shalt  }
0x86: {  	_ =	shalt  }
0x87: {  	_ =	shalt  }
.Lfunc_end0:
.L_simem_size_0:
called_computation_lowered:
.L_overlay_start_0:
0x88: {  	s2 =	sld [smem:$0x3FD9]  }
0x89: {  	s3 =	sld [smem:$0x3FFE];
	_ =	sdelay $0x1  }
0x8a: {  	s1 =	srdreg.scid  }
0x8b: {  	s0 =	sand.u32 $0x1, s1  }
0x8c: {  	s17 =	sshll.u32 s0, $0xA;
	s2 =	sadd.s32 s3, s2  }
0x8d: {  	s2 =	sadd.s32 s2, s17  }
0x8e: {  	[smem:$0x3FC6] =	sst s2  }
0x8f: {  	_ = 	snop  }
0x90: {  	s2 =	sld [smem:$0x3FD0];
	(tm) =	ssettm $0x1  }
0x91: {  	s18 =	sld [smem:$0x3FFB];
	_ =	sdelay $0x3  }
0x92: {  	_ =	strace s18  }
0x93: {  	s3 =	sld [smem:$0x3FFC];
	_ =	sdelay $0x3  }
0x94: {  	_ =	strace s3  }
0x95: {  	s3 =	sld [smem:$0x3FFD];
	_ =	sdelay $0x3  }
0x96: {  	_ =	strace s3  }
0x97: {  	_ =	strace $0x8FFFFFFF  }
0x98: {  	s19 =	sld [smem:$0x3FDB];
	_ =	sdelay $0x1  }
0x99: {  	s4 =	simm.s32 $_scs_section_size  }
0x9a: {  	s5 =	simm.s32 $_size__tile_overlayer_lowered;
	s6 =	simm.s32 $_tile_overlayer_lowered  }
0x9b: {  	s22 =	simm.s32 $0x1BFF;
	s21 =	sshll.u32 s6, $0x1;
	s3 =	sadd.s32 s4, s19  }
0x9c: {  	s7 =	simm.s32 $0x0;
	s20 =	sshll.u32 s5, $0x1;
	s5 =	sadd.s32 s21, s3  }
0x9d: {  	[timem:s7], [sflag:s22] =	dma.local [hbm:s5], s20  }
0x9e: {  	_ =	swait.ge [sflag:s22], s20  }
0x9f: {  	s4 =	ssub.s32 $0x0, s20;
	[sflag:s22] =	ssyncset.done $0x0  }
0xa0: {  	[sflag:s22] =	ssyncadd.s32 s4;
	_ =	sdelay $0x1  }
0xa1: {  	s23 =	simm.s32 $0x1B8B  }
0xa2: {  	_ =	swait.ge [sflag:s23], $0x1  }
0xa3: {  	[sflag:s23] =	ssyncset.done $0x0  }
0xa4: {  	s25 =	simm.s32 $0x1B8E;
	s24 =	sld [smem:$0x3FFE];
	[sflag:s23] =	ssyncadd.s32 $0xFFFFFFFF  }
0xa5: {  	s26 =	simm.s32 $execute0_lowered;
	[smem:$0x3FD2] =	sst s25  }
0xa6: {  	s5 =	sshll.u32 s26, $0x1;
	_ =	strace $0x80000046;
	[dreg:$0x1] =	wrdreg $0xFFFFFFFF  }
0xa7: {  	s28 =	simm.s32 $_size_execute0_lowered;
	s3 =	sadd.s32 s3, s5;
	[dreg:$0x0] =	wrdreg $0x0  }
0xa8: {  	s5 =	sshll.u32 s28, $0x1;
	[dreg:$0x2] =	wrdreg s3  }
0xa9: {  	[dreg:$0x3] =	wrdreg s5  }
0xaa: {  	[dreg:$0x4] =	wrdreg $0xC0  }
0xab: {  	_ =	task [dreg:s7], $0x5FFFF  }
0xac: {  	[dreg:$0x1] =	wrdreg $0xFFFFFFFF  }
0xad: {  	[dreg:$0x0] =	wrdreg $0x60  }
0xae: {  	[dreg:$0x2] =	wrdreg s24  }
0xaf: {  	[dreg:$0x3] =	wrdreg s2  }
0xb0: {  	[dreg:$0x4] =	wrdreg $0x9  }
0xb1: {  	_ =	task.clear_ibuf [dreg:s7], $0x5FFFF;
	_ =	strace $0x90000046  }
0xb2: {  	s29 =	simm.s32 $0x9;
	_ =	strace $0x80000048  }
0xb3: {  	_ =	swait.ge [sflag:s29], $0x1  }
0xb4: {  	[sflag:s29] =	ssyncadd.s32 $0xFFFFFFFF  }
0xb5: {  	_ =	strace $0x90000048  }
0xb6: {  	_ =	sfence  }
0xb7: {  	s30 =	sld [smem:$0x0];
	_ =	sdelay $0x2  }
0xb8: {  	s31 =	sshll.u32 s1, $0xD;
	s1 =	sshrl.u32 s1, $0x2  }
0xb9: {  	s3 =	sand.u32 $0x4000, s31;
	s1 =	sadd.s32 s1, s30  }
0xba: {  	s0 =	sor.u32 s3, s0;
	s1 =	sshll.u32 s1, $0x11  }
0xbb: {  	s0 =	sor.u32 s1, s0  }
0xbc: {  	s0 =	sadd.s32 $0x8F2B, s0  }
0xbd: {  	[sflag:s0] =	ssyncadd.remote.s32 $0x1  }
0xbe: {  	_ =	sfence.sel $0xFFFF  }
0xbf: {  	[dreg:$0x0] =	wrdreg $0xFFFFFFFF;
	(pc) =	sbr.abs _section_cstart, $3  }
0xc0: {  	[dreg:$0x1] =	wrdreg $0xFFFFFFFF  }
0xc1: {  	_ =	task.clear_ibuf [dreg:s7], $0x2FFFF;
	_ =	strace $0x9FFFFFFF  }
0xc2: {  	(tm) =	ssettm $0x7FFFFFFF  }
0xc3: {  	_ =	shalt  }
tec
execute0_lowered:
.L_overlay_start_1:
0x0: {  	(tag) =	ssettag $0x1  }
0x1: {  	s2 =	stileid.u32;
	s3 =	rddreg [dreg:$0x0]  }
0x2: {  	s4 =	rddreg [dreg:$0x1];
	s23 =	sshll.u32 s2, $0x1;
	s2 =	simm.s32 $0x0  }
0x3: {  	s7 =	simm.s32 $0x200;
	[smem:$0x7FF] =	sst s2  }
0x4: {  	s8 =	simm.s32 $0x280;
	_ =	strace $0x80000047;
	[dreg:$0xa] =	wrdreg s7  }
0x5: {  	s9 =	simm.s32 $0x300;
	[dreg:$0xb] =	wrdreg s8  }
0x6: {  	s10 =	simm.s32 $0x380;
	[dreg:$0xc] =	wrdreg s9  }
0x7: {  	s11 =	simm.s32 $0x400;
	[dreg:$0xd] =	wrdreg s10  }
0x8: {  	s12 =	simm.s32 $0x480;
	[dreg:$0xe] =	wrdreg s11  }
0x9: {  	s13 =	simm.s32 $0x500;
	[dreg:$0xf] =	wrdreg s12  }
0xa: {  	s14 =	simm.s32 $0x580;
	[dreg:$0x10] =	wrdreg s13  }
0xb: {  	s15 =	simm.s32 $0x600;
	[dreg:$0x11] =	wrdreg s14  }
0xc: {  	s16 =	simm.s32 $0x680;
	[dreg:$0x12] =	wrdreg s15  }
0xd: {  	s17 =	simm.s32 $0x700;
	[dreg:$0x13] =	wrdreg s16  }
0xe: {  	s18 =	simm.s32 $0x780;
	[dreg:$0x14] =	wrdreg s17  }
0xf: {  	s0 =	srdreg.scid;
	s19 =	simm.s32 $0x800;
	[dreg:$0x15] =	wrdreg s18  }
0x10: {  	s20 =	simm.s32 $0x880;
	s21 =	simm.s32 $0x900;
	[dreg:$0x16] =	wrdreg s19  }
0x11: {  	s22 =	simm.s32 $0x980;
	s31 =	simm.s32 $0x5;
	[dreg:$0x17] =	wrdreg s20  }
0x12: {  	s30 =	simm.s32 $0x5900;
	s1 =	sand.u32 $0x1, s0;
	[dreg:$0x18] =	wrdreg s21  }
0x13: {  	s0 =	sor.u32 s1, s23;
	s23 =	simm.s32 $0xA00;
	[dreg:$0x19] =	wrdreg s22  }
0x14: {  	s28 =	simm.s32 $0x12900;
	[dreg:$0x1a] =	wrdreg s23;
	s7 =	simm.s32 $0xD00  }
0x15: {  	p0 =	por $0x0, $0x0;
	s8 =	simm.s32 $0xD80;
	[smem:$0x7E6] =	sst s7  }
0x16: {  	s29 =	simm.s32 $0x13900;
	s10 =	simm.s32 $0xE00;
	[smem:$0x7E7] =	sst s8  }
0x17: {  	s1 =	ssub.s32 $0x2, s1;
	s11 =	simm.s32 $0xE80;
	[smem:$0x7E8] =	sst s10  }
0x18: {  	s5 =	smul.u32 $0x320, s0;
	s12 =	simm.s32 $0xF00;
	[smem:$0x7E9] =	sst s11  }
0x19: {  	s6 =	smul.u32 $0x32000, s0;
	s13 =	simm.s32 $0xF80;
	[smem:$0x7EA] =	sst s12  }
0x1a: {  	s0 =	smul.u32 $0x6400, s0;
	s14 =	simm.s32 $0x1000;
	[smem:$0x7EB] =	sst s13  }
0x1b: {  	s9 =	sshrl.u32 s1, $0x1;
	s15 =	simm.s32 $0x1080;
	[smem:$0x7EC] =	sst s14  }
0x1c: {  	s16 =	simm.s32 $0x1100;
	s17 =	simm.s32 $0x1180;
	[smem:$0x7ED] =	sst s15  }
0x1d: {  	s18 =	simm.s32 $0x1200;
	s19 =	simm.s32 $0x1280;
	[smem:$0x7EE] =	sst s16  }
0x1e: {  	s20 =	simm.s32 $0x1300;
	s21 =	simm.s32 $0x1380;
	[smem:$0x7EF] =	sst s17  }
0x1f: {  	s22 =	simm.s32 $0x1400;
	s23 =	simm.s32 $0x1480;
	[smem:$0x7F0] =	sst s18  }
0x20: {  	s1 =	ssub.s32 s1, s9;
	s8 =	simm.s32 $0x2900;
	[smem:$0x7F1] =	sst s19  }
0x21: {  	s9 =	simm.s32 $0x3900;
	s10 =	simm.s32 $0x4900;
	[smem:$0x7F2] =	sst s20  }
0x22: {  	s11 =	simm.s32 $0x6900;
	s12 =	simm.s32 $0x7900;
	[smem:$0x7F3] =	sst s21  }
0x23: {  	s13 =	simm.s32 $0x8900;
	s14 =	simm.s32 $0x9900;
	[smem:$0x7F4] =	sst s22  }
0x24: {  	s16 =	simm.s32 $0xA900;
	[smem:$0x7F5] =	sst s23;
	s7 =	simm.s32 $0x1680  }
0x25: {  	s15 =	simm.s32 $0xB900;
	s17 =	simm.s32 $0x1700;
	[smem:$0x7F9] =	sst s7  }
0x26: {  	s21 =	simm.s32 $0xC900;
	s18 =	simm.s32 $0x1780;
	[smem:$0x7FA] =	sst s17  }
0x27: {  	s19 =	simm.s32 $0x1800;
	s20 =	simm.s32 $0x1880;
	[smem:$0x7FB] =	sst s18  }
0x28: {  	s5 =	sadd.s32 s5, s3;
	s6 =	sshrl.u32 s6, $0x3;
	[smem:$0x7FC] =	sst s19  }
0x29: {  	[smem:$0x7FD] =	sst s20;
	s5 =	sadd.s32 $0x600, s5;
	s6 =	sadd.s32 s4, s6  }
0x2a: {  	s22 =	simm.s32 $0xD900;
	[dreg:$0x3] =	wrdreg s5;
	s24 =	sadd.s32 $0x5000, s6  }
0x2b: {  	s6 =	sadd.s32 s4, s0;
	s4 =	simm.s32 $0x100;
	[dreg:$0x4] =	wrdreg s24  }
0x2c: {  	s23 =	simm.s32 $0xE900;
	s5 =	simm.s32 $0x180;
	[dreg:$0x8] =	wrdreg s4  }
0x2d: {  	s3 =	sadd.s32 $0xF42A00, s3;
	s0 =	sadd.s32 $0x1400, s6;
	[dreg:$0x9] =	wrdreg s5  }
0x2e: {  	s1 =	smax.u32 s1, $0x1;
	s25 =	sadd.s32 $0x2800, s6;
	[dreg:$0x5] =	wrdreg s0  }
0x2f: {  	s7 =	simm.s32 $0x14900;
	s26 =	sadd.s32 $0x3C00, s6;
	[dreg:$0x6] =	wrdreg s25  }
0x30: {  	s19 =	simm.s32 $0x1;
	s24 =	simm.s32 $0xA80;
	[dreg:$0x7] =	wrdreg s26  }
0x31: {  	s17 =	simm.s32 $0x3;
	s4 =	simm.s32 $0xC00;
	[dreg:$0x1b] =	wrdreg s24  }
0x32: {  	s20 =	simm.s32 $0x2;
	s5 =	simm.s32 $0xC80;
	[dreg:$0x1e] =	wrdreg s4  }
0x33: {  	s18 =	simm.s32 $0x4;
	p1 =	sne.s32 s1, $0x1;
	[dreg:$0x1f] =	wrdreg s5  }
0x34: {  	s1 =	sadd.s32 $0xFFFFFFFF, s1;
	s25 =	simm.s32 $0xB00;
	s0 =	rddreg [dreg:$0x3]  }
.Ltmp0:
0x35: {  	s26 =	simm.s32 $0xB80;
	[dreg:$0x1c] =	wrdreg s25;
	(pc) =	sbr.rel @!p1 .LBB2_5-.Ltmp0, $4  }
0x36: {  	s5 =	simm.s32 $0x80;
	s24 =	simm.s32 $0x1500;
	[dreg:$0x1d] =	wrdreg s26  }
0x37: {  	s4 =	simm.s32 $0x1900;
	[smem:$0x7F6] =	sst s24;
	s25 =	simm.s32 $0x1580  }
0x38: {  	s26 =	simm.s32 $0x1600;
	s24 =	simm.s32 $0xF900;
	[smem:$0x7F7] =	sst s25  }
0x39: {  	[smem:$0x7F8] =	sst s26;
	s25 =	simm.s32 $0x10900;
	s26 =	simm.s32 $0x11900  }
0x3a: {  	[tilespmem:s2], [sflag:$0x5] =	stream.linear.gather [hbm4b:s0+s2], $0x1900, $0x38;
	[tilespmem:$0x15900] =	vst v63  }
0x3b: {  	_ =	swait.ge [sflag:s31], $0x1900  }
0x3c: {  	[sflag:s31] =	ssyncset.done $0x0  }
0x3d: {  	[sflag:s31] =	ssyncadd.s32 $0xFFFFE700  }
0x3e: {  	[tilespmem:s4], [sflag:$0x1] =	stream.indirect.gather [hbm4b:s3+s5], $0x20, s2, s5, $0xb8;
	[tilespmem:$0x15900] =	vst v63  }
0x3f: {  	_ = 	snop  }
0x40: {  	[tilespmem:s8], [sflag:$0x1] =	stream.indirect.gather [hbm4b:s3+s5], $0x20, s5, s5, $0xb8;
	[tilespmem:$0x15900] =	vst v63  }
0x41: {  	s0 =	rddreg [dreg:$0x8]  }
0x42: {  	[tilespmem:s9], [sflag:$0x1] =	stream.indirect.gather [hbm4b:s3+s5], $0x20, s0, s5, $0xb8;
	[tilespmem:$0x15900] =	vst v63  }
0x43: {  	s31 =	smov.u32 s1;
	s1 =	rddreg [dreg:$0x9]  }
0x44: {  	[tilespmem:s10], [sflag:$0x1] =	stream.indirect.gather [hbm4b:s3+s5], $0x20, s1, s5, $0xb8;
	[tilespmem:$0x15900] =	vst v63  }
0x45: {  	s0 =	rddreg [dreg:$0xa]  }
0x46: {  	[tilespmem:s30], [sflag:$0x1] =	stream.indirect.gather [hbm4b:s3+s5], $0x20, s0, s5, $0xb8;
	[tilespmem:$0x15900] =	vst v63  }
0x47: {  	s1 =	rddreg [dreg:$0xb]  }
0x48: {  	[tilespmem:s11], [sflag:$0x1] =	stream.indirect.gather [hbm4b:s3+s5], $0x20, s1, s5, $0xb8;
	[tilespmem:$0x15900] =	vst v63  }
0x49: {  	s0 =	rddreg [dreg:$0xc]  }
0x4a: {  	[tilespmem:s12], [sflag:$0x1] =	stream.indirect.gather [hbm4b:s3+s5], $0x20, s0, s5, $0xb8;
	[tilespmem:$0x15900] =	vst v63  }
0x4b: {  	s1 =	rddreg [dreg:$0xd]  }
0x4c: {  	[tilespmem:s13], [sflag:$0x1] =	stream.indirect.gather [hbm4b:s3+s5], $0x20, s1, s5, $0xb8;
	[tilespmem:$0x15900] =	vst v63  }
0x4d: {  	s0 =	rddreg [dreg:$0xe]  }
0x4e: {  	[tilespmem:s14], [sflag:$0x1] =	stream.indirect.gather [hbm4b:s3+s5], $0x20, s0, s5, $0xb8;
	[tilespmem:$0x15900] =	vst v63  }
0x4f: {  	s1 =	rddreg [dreg:$0xf]  }
0x50: {  	[tilespmem:s16], [sflag:$0x1] =	stream.indirect.gather [hbm4b:s3+s5], $0x20, s1, s5, $0xb8;
	[tilespmem:$0x15900] =	vst v63  }
0x51: {  	s0 =	rddreg [dreg:$0x10]  }
0x52: {  	[tilespmem:s15], [sflag:$0x2] =	stream.indirect.gather [hbm4b:s3+s5], $0x20, s0, s5, $0xb8;
	[tilespmem:$0x15900] =	vst v63  }
0x53: {  	s1 =	rddreg [dreg:$0x11]  }
0x54: {  	[tilespmem:s21], [sflag:$0x2] =	stream.indirect.gather [hbm4b:s3+s5], $0x20, s1, s5, $0xb8;
	[tilespmem:$0x15900] =	vst v63  }
0x55: {  	s0 =	rddreg [dreg:$0x12]  }
0x56: {  	[tilespmem:s22], [sflag:$0x2] =	stream.indirect.gather [hbm4b:s3+s5], $0x20, s0, s5, $0xb8;
	[tilespmem:$0x15900] =	vst v63  }
0x57: {  	s1 =	rddreg [dreg:$0x13]  }
0x58: {  	[tilespmem:s23], [sflag:$0x2] =	stream.indirect.gather [hbm4b:s3+s5], $0x20, s1, s5, $0xb8;
	[tilespmem:$0x15900] =	vst v63  }
0x59: {  	s0 =	rddreg [dreg:$0x14]  }
0x5a: {  	[tilespmem:s24], [sflag:$0x2] =	stream.indirect.gather [hbm4b:s3+s5], $0x20, s0, s5, $0xb8;
	[tilespmem:$0x15900] =	vst v63  }
0x5b: {  	s1 =	rddreg [dreg:$0x15]  }
0x5c: {  	[tilespmem:s25], [sflag:$0x2] =	stream.indirect.gather [hbm4b:s3+s5], $0x20, s1, s5, $0xb8;
	[tilespmem:$0x15900] =	vst v63  }
0x5d: {  	s0 =	rddreg [dreg:$0x16]  }
0x5e: {  	[tilespmem:s26], [sflag:$0x2] =	stream.indirect.gather [hbm4b:s3+s5], $0x20, s0, s5, $0xb8;
	[tilespmem:$0x15900] =	vst v63  }
0x5f: {  	s1 =	rddreg [dreg:$0x17]  }
0x60: {  	[tilespmem:s28], [sflag:$0x2] =	stream.indirect.gather [hbm4b:s3+s5], $0x20, s1, s5, $0xb8;
	[tilespmem:$0x15900] =	vst v63  }
0x61: {  	s0 =	rddreg [dreg:$0x18]  }
0x62: {  	[tilespmem:s29], [sflag:$0x2] =	stream.indirect.gather [hbm4b:s3+s5], $0x20, s0, s5, $0xb8;
	[tilespmem:$0x15900] =	vst v63  }
0x63: {  	s1 =	rddreg [dreg:$0x19]  }
0x64: {  	[tilespmem:s7], [sflag:$0x2] =	stream.indirect.gather [hbm4b:s3+s5], $0x20, s1, s5, $0xb8;
	[tilespmem:$0x15900] =	vst v63  }
0x65: {  	_ =	swait.ge [sflag:s19], $0xA000  }
0x66: {  	[sflag:s19] =	ssyncset.done $0x0  }
0x67: {  	[sflag:s19] =	ssyncadd.s32 $0xFFFF6000  }
0x68: {  	[hbm4b:s6+s2] =	stream.linear.scatter [tilespmem:s4], [sflag:$0x3], $0xA000, $0x38;
	[tilespmem:$0x15900] =	vst v63  }
0x69: {  	_ =	swait.ge [sflag:s17], $0xA000  }
0x6a: {  	s0 =	rddreg [dreg:$0x1a];
	[sflag:s17] =	ssyncset.done $0x0  }
0x6b: {  	s1 =	rddreg [dreg:$0x1b];
	[sflag:s17] =	ssyncadd.s32 $0xFFFF6000  }
0x6c: {  	[tilespmem:s4], [sflag:$0x1] =	stream.indirect.gather [hbm4b:s3+s5], $0x20, s0, s5, $0xb8;
	[tilespmem:$0x15900] =	vst v63  }
0x6d: {  	s0 =	rddreg [dreg:$0x1c]  }
0x6e: {  	[tilespmem:s8], [sflag:$0x1] =	stream.indirect.gather [hbm4b:s3+s5], $0x20, s1, s5, $0xb8;
	[tilespmem:$0x15900] =	vst v63  }
0x6f: {  	s1 =	rddreg [dreg:$0x1d]  }
0x70: {  	[tilespmem:s9], [sflag:$0x1] =	stream.indirect.gather [hbm4b:s3+s5], $0x20, s0, s5, $0xb8;
	[tilespmem:$0x15900] =	vst v63  }
0x71: {  	s0 =	rddreg [dreg:$0x1e]  }
0x72: {  	[tilespmem:s10], [sflag:$0x1] =	stream.indirect.gather [hbm4b:s3+s5], $0x20, s1, s5, $0xb8;
	[tilespmem:$0x15900] =	vst v63  }
0x73: {  	s1 =	rddreg [dreg:$0x1f]  }
0x74: {  	[tilespmem:s30], [sflag:$0x1] =	stream.indirect.gather [hbm4b:s3+s5], $0x20, s0, s5, $0xb8;
	[tilespmem:$0x15900] =	vst v63  }
0x75: {  	s0 =	sld [smem:$0x7E6]  }
0x76: {  	[tilespmem:s11], [sflag:$0x1] =	stream.indirect.gather [hbm4b:s3+s5], $0x20, s1, s5, $0xb8;
	[tilespmem:$0x15900] =	vst v63  }
0x77: {  	s1 =	sld [smem:$0x7E7]  }
0x78: {  	[tilespmem:s12], [sflag:$0x1] =	stream.indirect.gather [hbm4b:s3+s5], $0x20, s0, s5, $0xb8;
	[tilespmem:$0x15900] =	vst v63  }
0x79: {  	s0 =	sld [smem:$0x7E8]  }
0x7a: {  	[tilespmem:s13], [sflag:$0x1] =	stream.indirect.gather [hbm4b:s3+s5], $0x20, s1, s5, $0xb8;
	[tilespmem:$0x15900] =	vst v63  }
0x7b: {  	s1 =	sld [smem:$0x7E9]  }
0x7c: {  	[tilespmem:s14], [sflag:$0x1] =	stream.indirect.gather [hbm4b:s3+s5], $0x20, s0, s5, $0xb8;
	[tilespmem:$0x15900] =	vst v63  }
0x7d: {  	_ = 	snop  }
0x7e: {  	[tilespmem:s16], [sflag:$0x1] =	stream.indirect.gather [hbm4b:s3+s5], $0x20, s1, s5, $0xb8;
	[tilespmem:$0x15900] =	vst v63  }
0x7f: {  	_ =	swait.ge [sflag:s20], $0xA000  }
0x80: {  	[sflag:s20] =	ssyncset.done $0x0  }
0x81: {  	s1 =	rddreg [dreg:$0x5];
	[sflag:s20] =	ssyncadd.s32 $0xFFFF6000  }
0x82: {  	[hbm4b:s1+s2] =	stream.linear.scatter [tilespmem:s15], [sflag:$0x4], $0xA000, $0x38;
	[tilespmem:$0x15900] =	vst v63  }
0x83: {  	_ =	swait.ge [sflag:s18], $0xA000  }
0x84: {  	s0 =	sld [smem:$0x7EA]  }
0x85: {  	[sflag:s18] =	ssyncset.done $0x0  }
0x86: {  	s1 =	sld [smem:$0x7EB];
	[sflag:s18] =	ssyncadd.s32 $0xFFFF6000  }
0x87: {  	[tilespmem:s15], [sflag:$0x2] =	stream.indirect.gather [hbm4b:s3+s5], $0x20, s0, s5, $0xb8;
	[tilespmem:$0x15900] =	vst v63  }
0x88: {  	s0 =	sld [smem:$0x7EC]  }
0x89: {  	[tilespmem:s21], [sflag:$0x2] =	stream.indirect.gather [hbm4b:s3+s5], $0x20, s1, s5, $0xb8;
	[tilespmem:$0x15900] =	vst v63  }
0x8a: {  	s21 =	sld [smem:$0x7ED]  }
0x8b: {  	[tilespmem:s22], [sflag:$0x2] =	stream.indirect.gather [hbm4b:s3+s5], $0x20, s0, s5, $0xb8;
	[tilespmem:$0x15900] =	vst v63  }
0x8c: {  	s22 =	sld [smem:$0x7EE]  }
0x8d: {  	[tilespmem:s23], [sflag:$0x2] =	stream.indirect.gather [hbm4b:s3+s5], $0x20, s21, s5, $0xb8;
	[tilespmem:$0x15900] =	vst v63  }
0x8e: {  	s23 =	sld [smem:$0x7EF]  }
0x8f: {  	[tilespmem:s24], [sflag:$0x2] =	stream.indirect.gather [hbm4b:s3+s5], $0x20, s22, s5, $0xb8;
	[tilespmem:$0x15900] =	vst v63  }
0x90: {  	s21 =	sld [smem:$0x7F0]  }
0x91: {  	[tilespmem:s25], [sflag:$0x2] =	stream.indirect.gather [hbm4b:s3+s5], $0x20, s23, s5, $0xb8;
	[tilespmem:$0x15900] =	vst v63  }
0x92: {  	s22 =	sld [smem:$0x7F1]  }
0x93: {  	[tilespmem:s26], [sflag:$0x2] =	stream.indirect.gather [hbm4b:s3+s5], $0x20, s21, s5, $0xb8;
	[tilespmem:$0x15900] =	vst v63  }
0x94: {  	s23 =	sld [smem:$0x7F2]  }
0x95: {  	[tilespmem:s28], [sflag:$0x2] =	stream.indirect.gather [hbm4b:s3+s5], $0x20, s22, s5, $0xb8;
	[tilespmem:$0x15900] =	vst v63  }
0x96: {  	s24 =	sld [smem:$0x7F3]  }
0x97: {  	[tilespmem:s29], [sflag:$0x2] =	stream.indirect.gather [hbm4b:s3+s5], $0x20, s23, s5, $0xb8;
	[tilespmem:$0x15900] =	vst v63  }
0x98: {  	_ = 	snop  }
0x99: {  	[tilespmem:s7], [sflag:$0x2] =	stream.indirect.gather [hbm4b:s3+s5], $0x20, s24, s5, $0xb8;
	[tilespmem:$0x15900] =	vst v63  }
0x9a: {  	_ =	swait.ge [sflag:s19], $0xA000  }
0x9b: {  	[sflag:s19] =	ssyncset.done $0x0  }
0x9c: {  	s25 =	rddreg [dreg:$0x6];
	[sflag:s19] =	ssyncadd.s32 $0xFFFF6000  }
0x9d: {  	[hbm4b:s25+s2] =	stream.linear.scatter [tilespmem:s4], [sflag:$0x3], $0xA000, $0x38;
	[tilespmem:$0x15900] =	vst v63  }
0x9e: {  	_ =	swait.ge [sflag:s17], $0xA000  }
0x9f: {  	s26 =	sld [smem:$0x7F4]  }
0xa0: {  	[sflag:s17] =	ssyncset.done $0x0  }
0xa1: {  	s28 =	sld [smem:$0x7F5];
	[sflag:s17] =	ssyncadd.s32 $0xFFFF6000  }
0xa2: {  	[tilespmem:s4], [sflag:$0x1] =	stream.indirect.gather [hbm4b:s3+s5], $0x20, s26, s5, $0xb8;
	[tilespmem:$0x15900] =	vst v63  }
0xa3: {  	s7 =	sld [smem:$0x7F6]  }
0xa4: {  	[tilespmem:s8], [sflag:$0x1] =	stream.indirect.gather [hbm4b:s3+s5], $0x20, s28, s5, $0xb8;
	[tilespmem:$0x15900] =	vst v63  }
0xa5: {  	s8 =	sld [smem:$0x7F7]  }
0xa6: {  	[tilespmem:s9], [sflag:$0x1] =	stream.indirect.gather [hbm4b:s3+s5], $0x20, s7, s5, $0xb8;
	[tilespmem:$0x15900] =	vst v63  }
0xa7: {  	s9 =	sld [smem:$0x7F8]  }
0xa8: {  	[tilespmem:s10], [sflag:$0x1] =	stream.indirect.gather [hbm4b:s3+s5], $0x20, s8, s5, $0xb8;
	[tilespmem:$0x15900] =	vst v63  }
0xa9: {  	s21 =	sld [smem:$0x7F9]  }
0xaa: {  	[tilespmem:s30], [sflag:$0x1] =	stream.indirect.gather [hbm4b:s3+s5], $0x20, s9, s5, $0xb8;
	[tilespmem:$0x15900] =	vst v63  }
0xab: {  	s22 =	sld [smem:$0x7FA]  }
0xac: {  	[tilespmem:s11], [sflag:$0x1] =	stream.indirect.gather [hbm4b:s3+s5], $0x20, s21, s5, $0xb8;
	[tilespmem:$0x15900] =	vst v63  }
0xad: {  	s23 =	sld [smem:$0x7FB]  }
0xae: {  	[tilespmem:s12], [sflag:$0x1] =	stream.indirect.gather [hbm4b:s3+s5], $0x20, s22, s5, $0xb8;
	[tilespmem:$0x15900] =	vst v63  }
0xaf: {  	s24 =	sld [smem:$0x7FC]  }
0xb0: {  	[tilespmem:s13], [sflag:$0x1] =	stream.indirect.gather [hbm4b:s3+s5], $0x20, s23, s5, $0xb8;
	[tilespmem:$0x15900] =	vst v63  }
0xb1: {  	s25 =	sld [smem:$0x7FD]  }
0xb2: {  	[tilespmem:s14], [sflag:$0x1] =	stream.indirect.gather [hbm4b:s3+s5], $0x20, s24, s5, $0xb8;
	[tilespmem:$0x15900] =	vst v63  }
0xb3: {  	_ = 	snop  }
0xb4: {  	[tilespmem:s16], [sflag:$0x1] =	stream.indirect.gather [hbm4b:s3+s5], $0x20, s25, s5, $0xb8;
	[tilespmem:$0x15900] =	vst v63  }
0xb5: {  	_ =	swait.ge [sflag:s20], $0xA000  }
0xb6: {  	[sflag:s20] =	ssyncset.done $0x0  }
0xb7: {  	p0 =	por $0x1, $0x1;
	s26 =	rddreg [dreg:$0x7];
	[sflag:s20] =	ssyncadd.s32 $0xFFFF6000  }
0xb8: {  	[hbm4b:s26+s2] =	stream.linear.scatter [tilespmem:s15], [sflag:$0x4], $0xA000, $0x38;
	[tilespmem:$0x15900] =	vst v63  }
0xb9: {  	p1 =	sne.s32 s31, $0x1;
	s1 =	sadd.s32 $0xFFFFFFFF, s31;
	_ =	swait.ge [sflag:s19], $0xA000  }
0xba: {  	s31 =	simm.s32 $0xA900;
	s29 =	simm.s32 $0x12900;
	[sflag:s19] =	ssyncset.done $0x0  }
0xbb: {  	s7 =	simm.s32 $0x14900;
	s28 =	rddreg [dreg:$0x4];
	[sflag:s19] =	ssyncadd.s32 $0xFFFF6000  }
0xbc: {  	[hbm4b:s28+s2] =	stream.linear.scatter [tilespmem:s4], [sflag:$0x3], $0xA000, $0x38;
	[tilespmem:$0x15900] =	vst v63  }
0xbd: {  	s8 =	simm.s32 $0x2900;
	s10 =	simm.s32 $0x4900;
	_ =	swait.ge [sflag:s18], $0xA000  }
.Ltmp1:
0xbe: {  	s9 =	simm.s32 $0x3900;
	[sflag:s18] =	ssyncset.done $0x0;
	(pc) =	sbr.rel @!p1 .LBB2_6-.Ltmp1, $4  }
0xbf: {  	s30 =	simm.s32 $0x13900;
	s11 =	simm.s32 $0x5900;
	[sflag:s18] =	ssyncadd.s32 $0xFFFF6000  }
0xc0: {  	s22 =	simm.s32 $0x5;
	s12 =	simm.s32 $0x6900;
	_ =	swait.ge [sflag:s17], $0xA000  }
0xc1: {  	s13 =	simm.s32 $0x7900;
	s14 =	simm.s32 $0x8900;
	s0 =	rddreg [dreg:$0x3]  }
0xc2: {  	s16 =	simm.s32 $0x9900;
	[sflag:s17] =	ssyncset.done $0x0;
	[smem:$0x7E5] =	sst s6  }
0xc3: {  	s23 =	simm.s32 $0xC900;
	s24 =	simm.s32 $0xD900;
	s25 =	simm.s32 $0xB900  }
0xc4: {  	s26 =	simm.s32 $0xF900;
	s28 =	simm.s32 $0x10900;
	s21 =	simm.s32 $0x11900  }
.LBB2_3:
0xc5: {  	[sflag:s17] =	ssyncadd.s32 $0xFFFF6000  }
0xc6: {  	[tilespmem:s2], [sflag:$0x5] =	stream.linear.gather [hbm4b:s0+s2], $0x1900, $0x38;
	[tilespmem:$0x15900] =	vst v63  }
0xc7: {  	_ =	swait.ge [sflag:s22], $0x1900  }
0xc8: {  	[sflag:s22] =	ssyncset.done $0x0  }
0xc9: {  	[sflag:s22] =	ssyncadd.s32 $0xFFFFE700  }
0xca: {  	[tilespmem:s4], [sflag:$0x1] =	stream.indirect.gather [hbm4b:s3+s5], $0x20, s2, s5, $0xb8;
	[tilespmem:$0x15900] =	vst v63  }
0xcb: {  	_ = 	snop  }
0xcc: {  	[tilespmem:s8], [sflag:$0x1] =	stream.indirect.gather [hbm4b:s3+s5], $0x20, s5, s5, $0xb8;
	[tilespmem:$0x15900] =	vst v63  }
0xcd: {  	s0 =	rddreg [dreg:$0x8]  }
0xce: {  	[tilespmem:s9], [sflag:$0x1] =	stream.indirect.gather [hbm4b:s3+s5], $0x20, s0, s5, $0xb8;
	[tilespmem:$0x15900] =	vst v63  }
0xcf: {  	s6 =	rddreg [dreg:$0x9]  }
0xd0: {  	[tilespmem:s10], [sflag:$0x1] =	stream.indirect.gather [hbm4b:s3+s5], $0x20, s6, s5, $0xb8;
	[tilespmem:$0x15900] =	vst v63  }
0xd1: {  	s0 =	rddreg [dreg:$0xa]  }
0xd2: {  	[tilespmem:s11], [sflag:$0x1] =	stream.indirect.gather [hbm4b:s3+s5], $0x20, s0, s5, $0xb8;
	[tilespmem:$0x15900] =	vst v63  }
0xd3: {  	s6 =	rddreg [dreg:$0xb]  }
0xd4: {  	[tilespmem:s12], [sflag:$0x1] =	stream.indirect.gather [hbm4b:s3+s5], $0x20, s6, s5, $0xb8;
	[tilespmem:$0x15900] =	vst v63  }
0xd5: {  	s0 =	rddreg [dreg:$0xc]  }
0xd6: {  	[tilespmem:s13], [sflag:$0x1] =	stream.indirect.gather [hbm4b:s3+s5], $0x20, s0, s5, $0xb8;
	[tilespmem:$0x15900] =	vst v63  }
0xd7: {  	s6 =	rddreg [dreg:$0xd]  }
0xd8: {  	[tilespmem:s14], [sflag:$0x1] =	stream.indirect.gather [hbm4b:s3+s5], $0x20, s6, s5, $0xb8;
	[tilespmem:$0x15900] =	vst v63  }
0xd9: {  	s0 =	rddreg [dreg:$0xe]  }
0xda: {  	[tilespmem:s16], [sflag:$0x1] =	stream.indirect.gather [hbm4b:s3+s5], $0x20, s0, s5, $0xb8;
	[tilespmem:$0x15900] =	vst v63  }
0xdb: {  	s6 =	rddreg [dreg:$0xf]  }
0xdc: {  	[tilespmem:s31], [sflag:$0x1] =	stream.indirect.gather [hbm4b:s3+s5], $0x20, s6, s5, $0xb8;
	[tilespmem:$0x15900] =	vst v63  }
0xdd: {  	s0 =	rddreg [dreg:$0x10]  }
0xde: {  	[tilespmem:s15], [sflag:$0x2] =	stream.indirect.gather [hbm4b:s3+s5], $0x20, s0, s5, $0xb8;
	[tilespmem:$0x15900] =	vst v63  }
0xdf: {  	s6 =	rddreg [dreg:$0x11]  }
0xe0: {  	[tilespmem:s23], [sflag:$0x2] =	stream.indirect.gather [hbm4b:s3+s5], $0x20, s6, s5, $0xb8;
	[tilespmem:$0x15900] =	vst v63  }
0xe1: {  	s15 =	rddreg [dreg:$0x12]  }
0xe2: {  	[tilespmem:s24], [sflag:$0x2] =	stream.indirect.gather [hbm4b:s3+s5], $0x20, s15, s5, $0xb8;
	[tilespmem:$0x15900] =	vst v63  }
0xe3: {  	s6 =	rddreg [dreg:$0x13];
	s15 =	simm.s32 $0xE900  }
0xe4: {  	[tilespmem:s15], [sflag:$0x2] =	stream.indirect.gather [hbm4b:s3+s5], $0x20, s6, s5, $0xb8;
	[tilespmem:$0x15900] =	vst v63  }
0xe5: {  	s0 =	rddreg [dreg:$0x14]  }
0xe6: {  	[tilespmem:s26], [sflag:$0x2] =	stream.indirect.gather [hbm4b:s3+s5], $0x20, s0, s5, $0xb8;
	[tilespmem:$0x15900] =	vst v63  }
0xe7: {  	s6 =	rddreg [dreg:$0x15]  }
0xe8: {  	[tilespmem:s28], [sflag:$0x2] =	stream.indirect.gather [hbm4b:s3+s5], $0x20, s6, s5, $0xb8;
	[tilespmem:$0x15900] =	vst v63  }
0xe9: {  	s0 =	rddreg [dreg:$0x16]  }
0xea: {  	[tilespmem:s21], [sflag:$0x2] =	stream.indirect.gather [hbm4b:s3+s5], $0x20, s0, s5, $0xb8;
	[tilespmem:$0x15900] =	vst v63  }
0xeb: {  	s6 =	rddreg [dreg:$0x17]  }
0xec: {  	[tilespmem:s29], [sflag:$0x2] =	stream.indirect.gather [hbm4b:s3+s5], $0x20, s6, s5, $0xb8;
	[tilespmem:$0x15900] =	vst v63  }
0xed: {  	s0 =	rddreg [dreg:$0x18]  }
0xee: {  	[tilespmem:s30], [sflag:$0x2] =	stream.indirect.gather [hbm4b:s3+s5], $0x20, s0, s5, $0xb8;
	[tilespmem:$0x15900] =	vst v63  }
0xef: {  	s6 =	rddreg [dreg:$0x19]  }
0xf0: {  	[tilespmem:s7], [sflag:$0x2] =	stream.indirect.gather [hbm4b:s3+s5], $0x20, s6, s5, $0xb8;
	[tilespmem:$0x15900] =	vst v63  }
0xf1: {  	_ =	swait.ge [sflag:s19], $0xA000  }
0xf2: {  	s6 =	sld [smem:$0x7E5]  }
0xf3: {  	[sflag:s19] =	ssyncset.done $0x0  }
0xf4: {  	[sflag:s19] =	ssyncadd.s32 $0xFFFF6000  }
0xf5: {  	[hbm4b:s6+s2] =	stream.linear.scatter [tilespmem:s4], [sflag:$0x3], $0xA000, $0x38;
	[tilespmem:$0x15900] =	vst v63  }
0xf6: {  	_ =	swait.ge [sflag:s17], $0xA000  }
0xf7: {  	s0 =	rddreg [dreg:$0x1a];
	[sflag:s17] =	ssyncset.done $0x0  }
0xf8: {  	s6 =	rddreg [dreg:$0x1b];
	[sflag:s17] =	ssyncadd.s32 $0xFFFF6000  }
0xf9: {  	[tilespmem:s4], [sflag:$0x1] =	stream.indirect.gather [hbm4b:s3+s5], $0x20, s0, s5, $0xb8;
	[tilespmem:$0x15900] =	vst v63  }
0xfa: {  	s0 =	rddreg [dreg:$0x1c]  }
0xfb: {  	[tilespmem:s8], [sflag:$0x1] =	stream.indirect.gather [hbm4b:s3+s5], $0x20, s6, s5, $0xb8;
	[tilespmem:$0x15900] =	vst v63  }
0xfc: {  	s6 =	rddreg [dreg:$0x1d]  }
0xfd: {  	[tilespmem:s9], [sflag:$0x1] =	stream.indirect.gather [hbm4b:s3+s5], $0x20, s0, s5, $0xb8;
	[tilespmem:$0x15900] =	vst v63  }
0xfe: {  	s0 =	rddreg [dreg:$0x1e]  }
0xff: {  	[tilespmem:s10], [sflag:$0x1] =	stream.indirect.gather [hbm4b:s3+s5], $0x20, s6, s5, $0xb8;
	[tilespmem:$0x15900] =	vst v63  }
0x100: {  	s6 =	rddreg [dreg:$0x1f]  }
0x101: {  	[tilespmem:s11], [sflag:$0x1] =	stream.indirect.gather [hbm4b:s3+s5], $0x20, s0, s5, $0xb8;
	[tilespmem:$0x15900] =	vst v63  }
0x102: {  	s0 =	sld [smem:$0x7E6]  }
0x103: {  	[tilespmem:s12], [sflag:$0x1] =	stream.indirect.gather [hbm4b:s3+s5], $0x20, s6, s5, $0xb8;
	[tilespmem:$0x15900] =	vst v63  }
0x104: {  	s6 =	sld [smem:$0x7E7]  }
0x105: {  	[tilespmem:s13], [sflag:$0x1] =	stream.indirect.gather [hbm4b:s3+s5], $0x20, s0, s5, $0xb8;
	[tilespmem:$0x15900] =	vst v63  }
0x106: {  	s0 =	sld [smem:$0x7E8]  }
0x107: {  	[tilespmem:s14], [sflag:$0x1] =	stream.indirect.gather [hbm4b:s3+s5], $0x20, s6, s5, $0xb8;
	[tilespmem:$0x15900] =	vst v63  }
0x108: {  	s6 =	sld [smem:$0x7E9]  }
0x109: {  	[tilespmem:s16], [sflag:$0x1] =	stream.indirect.gather [hbm4b:s3+s5], $0x20, s0, s5, $0xb8;
	[tilespmem:$0x15900] =	vst v63  }
0x10a: {  	_ = 	snop  }
0x10b: {  	[tilespmem:s31], [sflag:$0x1] =	stream.indirect.gather [hbm4b:s3+s5], $0x20, s6, s5, $0xb8;
	[tilespmem:$0x15900] =	vst v63  }
0x10c: {  	_ =	swait.ge [sflag:s20], $0xA000  }
0x10d: {  	[sflag:s20] =	ssyncset.done $0x0  }
0x10e: {  	s6 =	rddreg [dreg:$0x5];
	[sflag:s20] =	ssyncadd.s32 $0xFFFF6000  }
0x10f: {  	[hbm4b:s6+s2] =	stream.linear.scatter [tilespmem:s25], [sflag:$0x4], $0xA000, $0x38;
	[tilespmem:$0x15900] =	vst v63  }
0x110: {  	_ =	swait.ge [sflag:s18], $0xA000  }
0x111: {  	s0 =	sld [smem:$0x7EA]  }
0x112: {  	[sflag:s18] =	ssyncset.done $0x0  }
0x113: {  	s6 =	sld [smem:$0x7EB];
	[sflag:s18] =	ssyncadd.s32 $0xFFFF6000  }
0x114: {  	[tilespmem:s25], [sflag:$0x2] =	stream.indirect.gather [hbm4b:s3+s5], $0x20, s0, s5, $0xb8;
	[tilespmem:$0x15900] =	vst v63  }
0x115: {  	s0 =	sld [smem:$0x7EC]  }
0x116: {  	[tilespmem:s23], [sflag:$0x2] =	stream.indirect.gather [hbm4b:s3+s5], $0x20, s6, s5, $0xb8;
	[tilespmem:$0x15900] =	vst v63  }
0x117: {  	s6 =	sld [smem:$0x7ED]  }
0x118: {  	[tilespmem:s24], [sflag:$0x2] =	stream.indirect.gather [hbm4b:s3+s5], $0x20, s0, s5, $0xb8;
	[tilespmem:$0x15900] =	vst v63  }
0x119: {  	s0 =	sld [smem:$0x7EE]  }
0x11a: {  	[tilespmem:s15], [sflag:$0x2] =	stream.indirect.gather [hbm4b:s3+s5], $0x20, s6, s5, $0xb8;
	[tilespmem:$0x15900] =	vst v63  }
0x11b: {  	s6 =	sld [smem:$0x7EF]  }
0x11c: {  	[tilespmem:s26], [sflag:$0x2] =	stream.indirect.gather [hbm4b:s3+s5], $0x20, s0, s5, $0xb8;
	[tilespmem:$0x15900] =	vst v63  }
0x11d: {  	s0 =	sld [smem:$0x7F0]  }
0x11e: {  	[tilespmem:s28], [sflag:$0x2] =	stream.indirect.gather [hbm4b:s3+s5], $0x20, s6, s5, $0xb8;
	[tilespmem:$0x15900] =	vst v63  }
0x11f: {  	s6 =	sld [smem:$0x7F1]  }
0x120: {  	[tilespmem:s21], [sflag:$0x2] =	stream.indirect.gather [hbm4b:s3+s5], $0x20, s0, s5, $0xb8;
	[tilespmem:$0x15900] =	vst v63  }
0x121: {  	s0 =	sld [smem:$0x7F2]  }
0x122: {  	[tilespmem:s29], [sflag:$0x2] =	stream.indirect.gather [hbm4b:s3+s5], $0x20, s6, s5, $0xb8;
	[tilespmem:$0x15900] =	vst v63  }
0x123: {  	s6 =	sld [smem:$0x7F3]  }
0x124: {  	[tilespmem:s30], [sflag:$0x2] =	stream.indirect.gather [hbm4b:s3+s5], $0x20, s0, s5, $0xb8;
	[tilespmem:$0x15900] =	vst v63  }
0x125: {  	_ = 	snop  }
0x126: {  	[tilespmem:s7], [sflag:$0x2] =	stream.indirect.gather [hbm4b:s3+s5], $0x20, s6, s5, $0xb8;
	[tilespmem:$0x15900] =	vst v63  }
0x127: {  	_ =	swait.ge [sflag:s19], $0xA000  }
0x128: {  	[sflag:s19] =	ssyncset.done $0x0  }
0x129: {  	s6 =	rddreg [dreg:$0x6];
	[sflag:s19] =	ssyncadd.s32 $0xFFFF6000  }
0x12a: {  	[hbm4b:s6+s2] =	stream.linear.scatter [tilespmem:s4], [sflag:$0x3], $0xA000, $0x38;
	[tilespmem:$0x15900] =	vst v63  }
0x12b: {  	_ =	swait.ge [sflag:s17], $0xA000  }
0x12c: {  	s0 =	sld [smem:$0x7F4]  }
0x12d: {  	[sflag:s17] =	ssyncset.done $0x0  }
0x12e: {  	s6 =	sld [smem:$0x7F5];
	[sflag:s17] =	ssyncadd.s32 $0xFFFF6000  }
0x12f: {  	[tilespmem:s4], [sflag:$0x1] =	stream.indirect.gather [hbm4b:s3+s5], $0x20, s0, s5, $0xb8;
	[tilespmem:$0x15900] =	vst v63  }
0x130: {  	s0 =	sld [smem:$0x7F6]  }
0x131: {  	[tilespmem:s8], [sflag:$0x1] =	stream.indirect.gather [hbm4b:s3+s5], $0x20, s6, s5, $0xb8;
	[tilespmem:$0x15900] =	vst v63  }
0x132: {  	s6 =	sld [smem:$0x7F7]  }
0x133: {  	[tilespmem:s9], [sflag:$0x1] =	stream.indirect.gather [hbm4b:s3+s5], $0x20, s0, s5, $0xb8;
	[tilespmem:$0x15900] =	vst v63  }
0x134: {  	s0 =	sld [smem:$0x7F8]  }
0x135: {  	[tilespmem:s10], [sflag:$0x1] =	stream.indirect.gather [hbm4b:s3+s5], $0x20, s6, s5, $0xb8;
	[tilespmem:$0x15900] =	vst v63  }
0x136: {  	s6 =	sld [smem:$0x7F9]  }
0x137: {  	[tilespmem:s11], [sflag:$0x1] =	stream.indirect.gather [hbm4b:s3+s5], $0x20, s0, s5, $0xb8;
	[tilespmem:$0x15900] =	vst v63  }
0x138: {  	s0 =	sld [smem:$0x7FA]  }
0x139: {  	[tilespmem:s12], [sflag:$0x1] =	stream.indirect.gather [hbm4b:s3+s5], $0x20, s6, s5, $0xb8;
	[tilespmem:$0x15900] =	vst v63  }
0x13a: {  	s6 =	sld [smem:$0x7FB]  }
0x13b: {  	[tilespmem:s13], [sflag:$0x1] =	stream.indirect.gather [hbm4b:s3+s5], $0x20, s0, s5, $0xb8;
	[tilespmem:$0x15900] =	vst v63  }
0x13c: {  	s0 =	sld [smem:$0x7FC]  }
0x13d: {  	[tilespmem:s14], [sflag:$0x1] =	stream.indirect.gather [hbm4b:s3+s5], $0x20, s6, s5, $0xb8;
	[tilespmem:$0x15900] =	vst v63  }
0x13e: {  	s6 =	sld [smem:$0x7FD]  }
0x13f: {  	[tilespmem:s16], [sflag:$0x1] =	stream.indirect.gather [hbm4b:s3+s5], $0x20, s0, s5, $0xb8;
	[tilespmem:$0x15900] =	vst v63  }
0x140: {  	_ = 	snop  }
0x141: {  	[tilespmem:s31], [sflag:$0x1] =	stream.indirect.gather [hbm4b:s3+s5], $0x20, s6, s5, $0xb8;
	[tilespmem:$0x15900] =	vst v63  }
0x142: {  	_ =	swait.ge [sflag:s20], $0xA000  }
0x143: {  	[sflag:s20] =	ssyncset.done $0x0  }
0x144: {  	s15 =	simm.s32 $0xB900;
	s6 =	rddreg [dreg:$0x7];
	[sflag:s20] =	ssyncadd.s32 $0xFFFF6000  }
0x145: {  	[hbm4b:s6+s2] =	stream.linear.scatter [tilespmem:s15], [sflag:$0x4], $0xA000, $0x38;
	[tilespmem:$0x15900] =	vst v63  }
0x146: {  	_ =	swait.ge [sflag:s19], $0xA000  }
0x147: {  	[sflag:s19] =	ssyncset.done $0x0  }
0x148: {  	p1 =	sne.s32 s1, $0x1;
	s6 =	rddreg [dreg:$0x4];
	[sflag:s19] =	ssyncadd.s32 $0xFFFF6000  }
0x149: {  	[hbm4b:s6+s2] =	stream.linear.scatter [tilespmem:s4], [sflag:$0x3], $0xA000, $0x38;
	[tilespmem:$0x15900] =	vst v63  }
.Ltmp2:
0x14a: {  	_ =	swait.ge [sflag:s18], $0xA000;
	(pc) =	sbr.rel @p1 .LBB2_3-.Ltmp2, $4  }
0x14b: {  	[sflag:s18] =	ssyncset.done $0x0  }
0x14c: {  	[sflag:s18] =	ssyncadd.s32 $0xFFFF6000  }
0x14d: {  	_ =	swait.ge [sflag:s17], $0xA000  }
0x14e: {  	s1 =	sadd.s32 $0xFFFFFFFF, s1;
	s0 =	rddreg [dreg:$0x3];
	[sflag:s17] =	ssyncset.done $0x0  }
0x14f: {  	s6 =	sld [smem:$0x7E5];
	s21 =	simm.s32 $0xC900  }
0x150: {  	s22 =	simm.s32 $0xD900;
	s23 =	simm.s32 $0xE900;
	s24 =	simm.s32 $0xF900  }
0x151: {  	s25 =	simm.s32 $0x10900;
	s26 =	simm.s32 $0x11900;
	s28 =	simm.s32 $0x12900  }
0x152: {  	s29 =	simm.s32 $0x13900;
	s7 =	simm.s32 $0x14900;
	s8 =	simm.s32 $0x2900  }
0x153: {  	s9 =	simm.s32 $0x3900;
	s10 =	simm.s32 $0x4900;
	s30 =	simm.s32 $0x5900  }
0x154: {  	s11 =	simm.s32 $0x6900;
	s12 =	simm.s32 $0x7900;
	s13 =	simm.s32 $0x8900  }
0x155: {  	s14 =	simm.s32 $0x9900;
	s16 =	simm.s32 $0xA900;
	s31 =	simm.s32 $0x5  }
.LBB2_5:
0x156: {  	[sflag:s17] =	ssyncadd.s32 @p0 $0xFFFF6000  }
0x157: {  	[tilespmem:s2], [sflag:$0x5] =	stream.linear.gather [hbm4b:s0+s2], $0x1900, $0x38;
	[tilespmem:$0x15900] =	vst v63  }
0x158: {  	_ =	swait.ge [sflag:s31], $0x1900  }
0x159: {  	[sflag:s31] =	ssyncset.done $0x0  }
0x15a: {  	[sflag:s31] =	ssyncadd.s32 $0xFFFFE700  }
0x15b: {  	[tilespmem:s4], [sflag:$0x1] =	stream.indirect.gather [hbm4b:s3+s5], $0x20, s2, s5, $0xb8;
	[tilespmem:$0x15900] =	vst v63  }
0x15c: {  	_ = 	snop  }
0x15d: {  	[tilespmem:s8], [sflag:$0x1] =	stream.indirect.gather [hbm4b:s3+s5], $0x20, s5, s5, $0xb8;
	[tilespmem:$0x15900] =	vst v63  }
0x15e: {  	s31 =	rddreg [dreg:$0x8]  }
0x15f: {  	[tilespmem:s9], [sflag:$0x1] =	stream.indirect.gather [hbm4b:s3+s5], $0x20, s31, s5, $0xb8;
	[tilespmem:$0x15900] =	vst v63  }
0x160: {  	s1 =	rddreg [dreg:$0x9]  }
0x161: {  	[tilespmem:s10], [sflag:$0x1] =	stream.indirect.gather [hbm4b:s3+s5], $0x20, s1, s5, $0xb8;
	[tilespmem:$0x15900] =	vst v63  }
0x162: {  	s0 =	rddreg [dreg:$0xa]  }
0x163: {  	[tilespmem:s30], [sflag:$0x1] =	stream.indirect.gather [hbm4b:s3+s5], $0x20, s0, s5, $0xb8;
	[tilespmem:$0x15900] =	vst v63  }
0x164: {  	s31 =	rddreg [dreg:$0xb]  }
0x165: {  	[tilespmem:s11], [sflag:$0x1] =	stream.indirect.gather [hbm4b:s3+s5], $0x20, s31, s5, $0xb8;
	[tilespmem:$0x15900] =	vst v63  }
0x166: {  	s0 =	rddreg [dreg:$0xc]  }
0x167: {  	[tilespmem:s12], [sflag:$0x1] =	stream.indirect.gather [hbm4b:s3+s5], $0x20, s0, s5, $0xb8;
	[tilespmem:$0x15900] =	vst v63  }
0x168: {  	s31 =	rddreg [dreg:$0xd]  }
0x169: {  	[tilespmem:s13], [sflag:$0x1] =	stream.indirect.gather [hbm4b:s3+s5], $0x20, s31, s5, $0xb8;
	[tilespmem:$0x15900] =	vst v63  }
0x16a: {  	s0 =	rddreg [dreg:$0xe]  }
0x16b: {  	[tilespmem:s14], [sflag:$0x1] =	stream.indirect.gather [hbm4b:s3+s5], $0x20, s0, s5, $0xb8;
	[tilespmem:$0x15900] =	vst v63  }
0x16c: {  	s31 =	rddreg [dreg:$0xf]  }
0x16d: {  	[tilespmem:s16], [sflag:$0x1] =	stream.indirect.gather [hbm4b:s3+s5], $0x20, s31, s5, $0xb8;
	[tilespmem:$0x15900] =	vst v63  }
0x16e: {  	s0 =	rddreg [dreg:$0x10]  }
0x16f: {  	[tilespmem:s15], [sflag:$0x2] =	stream.indirect.gather [hbm4b:s3+s5], $0x20, s0, s5, $0xb8;
	[tilespmem:$0x15900] =	vst v63  }
0x170: {  	s31 =	rddreg [dreg:$0x11]  }
0x171: {  	[tilespmem:s21], [sflag:$0x2] =	stream.indirect.gather [hbm4b:s3+s5], $0x20, s31, s5, $0xb8;
	[tilespmem:$0x15900] =	vst v63  }
0x172: {  	s0 =	rddreg [dreg:$0x12]  }
0x173: {  	[tilespmem:s22], [sflag:$0x2] =	stream.indirect.gather [hbm4b:s3+s5], $0x20, s0, s5, $0xb8;
	[tilespmem:$0x15900] =	vst v63  }
0x174: {  	s31 =	rddreg [dreg:$0x13]  }
0x175: {  	[tilespmem:s23], [sflag:$0x2] =	stream.indirect.gather [hbm4b:s3+s5], $0x20, s31, s5, $0xb8;
	[tilespmem:$0x15900] =	vst v63  }
0x176: {  	s0 =	rddreg [dreg:$0x14]  }
0x177: {  	[tilespmem:s24], [sflag:$0x2] =	stream.indirect.gather [hbm4b:s3+s5], $0x20, s0, s5, $0xb8;
	[tilespmem:$0x15900] =	vst v63  }
0x178: {  	s31 =	rddreg [dreg:$0x15]  }
0x179: {  	[tilespmem:s25], [sflag:$0x2] =	stream.indirect.gather [hbm4b:s3+s5], $0x20, s31, s5, $0xb8;
	[tilespmem:$0x15900] =	vst v63  }
0x17a: {  	s0 =	rddreg [dreg:$0x16]  }
0x17b: {  	[tilespmem:s26], [sflag:$0x2] =	stream.indirect.gather [hbm4b:s3+s5], $0x20, s0, s5, $0xb8;
	[tilespmem:$0x15900] =	vst v63  }
0x17c: {  	s31 =	rddreg [dreg:$0x17]  }
0x17d: {  	[tilespmem:s28], [sflag:$0x2] =	stream.indirect.gather [hbm4b:s3+s5], $0x20, s31, s5, $0xb8;
	[tilespmem:$0x15900] =	vst v63  }
0x17e: {  	s0 =	rddreg [dreg:$0x18]  }
0x17f: {  	[tilespmem:s29], [sflag:$0x2] =	stream.indirect.gather [hbm4b:s3+s5], $0x20, s0, s5, $0xb8;
	[tilespmem:$0x15900] =	vst v63  }
0x180: {  	s31 =	rddreg [dreg:$0x19]  }
0x181: {  	[tilespmem:s7], [sflag:$0x2] =	stream.indirect.gather [hbm4b:s3+s5], $0x20, s31, s5, $0xb8;
	[tilespmem:$0x15900] =	vst v63  }
0x182: {  	_ =	swait.ge [sflag:s19], $0xA000  }
0x183: {  	[sflag:s19] =	ssyncset.done $0x0  }
0x184: {  	[sflag:s19] =	ssyncadd.s32 $0xFFFF6000  }
0x185: {  	[hbm4b:s6+s2] =	stream.linear.scatter [tilespmem:s4], [sflag:$0x3], $0xA000, $0x38;
	[tilespmem:$0x15900] =	vst v63  }
0x186: {  	_ =	swait.ge [sflag:s17], $0xA000  }
0x187: {  	s6 =	rddreg [dreg:$0x1a];
	[sflag:s17] =	ssyncset.done $0x0  }
0x188: {  	s31 =	rddreg [dreg:$0x1b];
	[sflag:s17] =	ssyncadd.s32 $0xFFFF6000  }
0x189: {  	[tilespmem:s4], [sflag:$0x1] =	stream.indirect.gather [hbm4b:s3+s5], $0x20, s6, s5, $0xb8;
	[tilespmem:$0x15900] =	vst v63  }
0x18a: {  	s6 =	rddreg [dreg:$0x1c]  }
0x18b: {  	[tilespmem:s8], [sflag:$0x1] =	stream.indirect.gather [hbm4b:s3+s5], $0x20, s31, s5, $0xb8;
	[tilespmem:$0x15900] =	vst v63  }
0x18c: {  	s31 =	rddreg [dreg:$0x1d]  }
0x18d: {  	[tilespmem:s9], [sflag:$0x1] =	stream.indirect.gather [hbm4b:s3+s5], $0x20, s6, s5, $0xb8;
	[tilespmem:$0x15900] =	vst v63  }
0x18e: {  	s6 =	rddreg [dreg:$0x1e]  }
0x18f: {  	[tilespmem:s10], [sflag:$0x1] =	stream.indirect.gather [hbm4b:s3+s5], $0x20, s31, s5, $0xb8;
	[tilespmem:$0x15900] =	vst v63  }
0x190: {  	s31 =	rddreg [dreg:$0x1f]  }
0x191: {  	[tilespmem:s30], [sflag:$0x1] =	stream.indirect.gather [hbm4b:s3+s5], $0x20, s6, s5, $0xb8;
	[tilespmem:$0x15900] =	vst v63  }
0x192: {  	s6 =	sld [smem:$0x7E6]  }
0x193: {  	[tilespmem:s11], [sflag:$0x1] =	stream.indirect.gather [hbm4b:s3+s5], $0x20, s31, s5, $0xb8;
	[tilespmem:$0x15900] =	vst v63  }
0x194: {  	s31 =	sld [smem:$0x7E7]  }
0x195: {  	[tilespmem:s12], [sflag:$0x1] =	stream.indirect.gather [hbm4b:s3+s5], $0x20, s6, s5, $0xb8;
	[tilespmem:$0x15900] =	vst v63  }
0x196: {  	s6 =	sld [smem:$0x7E8]  }
0x197: {  	[tilespmem:s13], [sflag:$0x1] =	stream.indirect.gather [hbm4b:s3+s5], $0x20, s31, s5, $0xb8;
	[tilespmem:$0x15900] =	vst v63  }
0x198: {  	s31 =	sld [smem:$0x7E9]  }
0x199: {  	[tilespmem:s14], [sflag:$0x1] =	stream.indirect.gather [hbm4b:s3+s5], $0x20, s6, s5, $0xb8;
	[tilespmem:$0x15900] =	vst v63  }
0x19a: {  	_ = 	snop  }
0x19b: {  	[tilespmem:s16], [sflag:$0x1] =	stream.indirect.gather [hbm4b:s3+s5], $0x20, s31, s5, $0xb8;
	[tilespmem:$0x15900] =	vst v63  }
0x19c: {  	_ =	swait.ge [sflag:s20], $0xA000  }
0x19d: {  	[sflag:s20] =	ssyncset.done $0x0  }
0x19e: {  	s1 =	rddreg [dreg:$0x5];
	[sflag:s20] =	ssyncadd.s32 $0xFFFF6000  }
0x19f: {  	[hbm4b:s1+s2] =	stream.linear.scatter [tilespmem:s15], [sflag:$0x4], $0xA000, $0x38;
	[tilespmem:$0x15900] =	vst v63  }
0x1a0: {  	_ =	swait.ge [sflag:s18], $0xA000  }
0x1a1: {  	s6 =	sld [smem:$0x7EA]  }
0x1a2: {  	[sflag:s18] =	ssyncset.done $0x0  }
0x1a3: {  	s31 =	sld [smem:$0x7EB];
	[sflag:s18] =	ssyncadd.s32 $0xFFFF6000  }
0x1a4: {  	[tilespmem:s15], [sflag:$0x2] =	stream.indirect.gather [hbm4b:s3+s5], $0x20, s6, s5, $0xb8;
	[tilespmem:$0x15900] =	vst v63  }
0x1a5: {  	s6 =	sld [smem:$0x7EC]  }
0x1a6: {  	[tilespmem:s21], [sflag:$0x2] =	stream.indirect.gather [hbm4b:s3+s5], $0x20, s31, s5, $0xb8;
	[tilespmem:$0x15900] =	vst v63  }
0x1a7: {  	s21 =	sld [smem:$0x7ED]  }
0x1a8: {  	[tilespmem:s22], [sflag:$0x2] =	stream.indirect.gather [hbm4b:s3+s5], $0x20, s6, s5, $0xb8;
	[tilespmem:$0x15900] =	vst v63  }
0x1a9: {  	s22 =	sld [smem:$0x7EE]  }
0x1aa: {  	[tilespmem:s23], [sflag:$0x2] =	stream.indirect.gather [hbm4b:s3+s5], $0x20, s21, s5, $0xb8;
	[tilespmem:$0x15900] =	vst v63  }
0x1ab: {  	s23 =	sld [smem:$0x7EF]  }
0x1ac: {  	[tilespmem:s24], [sflag:$0x2] =	stream.indirect.gather [hbm4b:s3+s5], $0x20, s22, s5, $0xb8;
	[tilespmem:$0x15900] =	vst v63  }
0x1ad: {  	s24 =	sld [smem:$0x7F0]  }
0x1ae: {  	[tilespmem:s25], [sflag:$0x2] =	stream.indirect.gather [hbm4b:s3+s5], $0x20, s23, s5, $0xb8;
	[tilespmem:$0x15900] =	vst v63  }
0x1af: {  	s25 =	sld [smem:$0x7F1]  }
0x1b0: {  	[tilespmem:s26], [sflag:$0x2] =	stream.indirect.gather [hbm4b:s3+s5], $0x20, s24, s5, $0xb8;
	[tilespmem:$0x15900] =	vst v63  }
0x1b1: {  	s26 =	sld [smem:$0x7F2]  }
0x1b2: {  	[tilespmem:s28], [sflag:$0x2] =	stream.indirect.gather [hbm4b:s3+s5], $0x20, s25, s5, $0xb8;
	[tilespmem:$0x15900] =	vst v63  }
0x1b3: {  	s28 =	sld [smem:$0x7F3]  }
0x1b4: {  	[tilespmem:s29], [sflag:$0x2] =	stream.indirect.gather [hbm4b:s3+s5], $0x20, s26, s5, $0xb8;
	[tilespmem:$0x15900] =	vst v63  }
0x1b5: {  	_ = 	snop  }
0x1b6: {  	[tilespmem:s7], [sflag:$0x2] =	stream.indirect.gather [hbm4b:s3+s5], $0x20, s28, s5, $0xb8;
	[tilespmem:$0x15900] =	vst v63  }
0x1b7: {  	_ =	swait.ge [sflag:s19], $0xA000  }
0x1b8: {  	[sflag:s19] =	ssyncset.done $0x0  }
0x1b9: {  	s31 =	rddreg [dreg:$0x6];
	[sflag:s19] =	ssyncadd.s32 $0xFFFF6000  }
0x1ba: {  	[hbm4b:s31+s2] =	stream.linear.scatter [tilespmem:s4], [sflag:$0x3], $0xA000, $0x38;
	[tilespmem:$0x15900] =	vst v63  }
0x1bb: {  	_ =	swait.ge [sflag:s17], $0xA000  }
0x1bc: {  	s1 =	sld [smem:$0x7F4]  }
0x1bd: {  	[sflag:s17] =	ssyncset.done $0x0  }
0x1be: {  	s6 =	sld [smem:$0x7F5];
	[sflag:s17] =	ssyncadd.s32 $0xFFFF6000  }
0x1bf: {  	[tilespmem:s4], [sflag:$0x1] =	stream.indirect.gather [hbm4b:s3+s5], $0x20, s1, s5, $0xb8;
	[tilespmem:$0x15900] =	vst v63  }
0x1c0: {  	s7 =	sld [smem:$0x7F6]  }
0x1c1: {  	[tilespmem:s8], [sflag:$0x1] =	stream.indirect.gather [hbm4b:s3+s5], $0x20, s6, s5, $0xb8;
	[tilespmem:$0x15900] =	vst v63  }
0x1c2: {  	s21 =	sld [smem:$0x7F7]  }
0x1c3: {  	[tilespmem:s9], [sflag:$0x1] =	stream.indirect.gather [hbm4b:s3+s5], $0x20, s7, s5, $0xb8;
	[tilespmem:$0x15900] =	vst v63  }
0x1c4: {  	s22 =	sld [smem:$0x7F8]  }
0x1c5: {  	[tilespmem:s10], [sflag:$0x1] =	stream.indirect.gather [hbm4b:s3+s5], $0x20, s21, s5, $0xb8;
	[tilespmem:$0x15900] =	vst v63  }
0x1c6: {  	s23 =	sld [smem:$0x7F9]  }
0x1c7: {  	[tilespmem:s30], [sflag:$0x1] =	stream.indirect.gather [hbm4b:s3+s5], $0x20, s22, s5, $0xb8;
	[tilespmem:$0x15900] =	vst v63  }
0x1c8: {  	s24 =	sld [smem:$0x7FA]  }
0x1c9: {  	[tilespmem:s11], [sflag:$0x1] =	stream.indirect.gather [hbm4b:s3+s5], $0x20, s23, s5, $0xb8;
	[tilespmem:$0x15900] =	vst v63  }
0x1ca: {  	s25 =	sld [smem:$0x7FB]  }
0x1cb: {  	[tilespmem:s12], [sflag:$0x1] =	stream.indirect.gather [hbm4b:s3+s5], $0x20, s24, s5, $0xb8;
	[tilespmem:$0x15900] =	vst v63  }
0x1cc: {  	s26 =	sld [smem:$0x7FC]  }
0x1cd: {  	[tilespmem:s13], [sflag:$0x1] =	stream.indirect.gather [hbm4b:s3+s5], $0x20, s25, s5, $0xb8;
	[tilespmem:$0x15900] =	vst v63  }
0x1ce: {  	s28 =	sld [smem:$0x7FD]  }
0x1cf: {  	[tilespmem:s14], [sflag:$0x1] =	stream.indirect.gather [hbm4b:s3+s5], $0x20, s26, s5, $0xb8;
	[tilespmem:$0x15900] =	vst v63  }
0x1d0: {  	_ = 	snop  }
0x1d1: {  	[tilespmem:s16], [sflag:$0x1] =	stream.indirect.gather [hbm4b:s3+s5], $0x20, s28, s5, $0xb8;
	[tilespmem:$0x15900] =	vst v63  }
0x1d2: {  	_ =	swait.ge [sflag:s20], $0xA000  }
0x1d3: {  	[sflag:s20] =	ssyncset.done $0x0  }
0x1d4: {  	s29 =	rddreg [dreg:$0x7];
	[sflag:s20] =	ssyncadd.s32 $0xFFFF6000  }
0x1d5: {  	[hbm4b:s29+s2] =	stream.linear.scatter [tilespmem:s15], [sflag:$0x4], $0xA000, $0x38;
	[tilespmem:$0x15900] =	vst v63  }
0x1d6: {  	_ =	swait.ge [sflag:s19], $0xA000  }
0x1d7: {  	[sflag:s19] =	ssyncset.done $0x0  }
0x1d8: {  	s30 =	rddreg [dreg:$0x4];
	[sflag:s19] =	ssyncadd.s32 $0xFFFF6000  }
0x1d9: {  	[hbm4b:s30+s2] =	stream.linear.scatter [tilespmem:s4], [sflag:$0x3], $0xA000, $0x38;
	[tilespmem:$0x15900] =	vst v63  }
0x1da: {  	_ =	swait.ge [sflag:s18], $0xA000  }
0x1db: {  	[sflag:s18] =	ssyncset.done $0x0  }
0x1dc: {  	[sflag:s18] =	ssyncadd.s32 $0xFFFF6000  }
0x1dd: {  	_ =	swait.ge [sflag:s17], $0xA000  }
0x1de: {  	[sflag:s17] =	ssyncset.done $0x0  }
0x1df: {  	[sflag:s17] =	ssyncadd.s32 $0xFFFF6000  }
0x1e0: {  	_ =	sfence.sel $0x180000  }
0x1e1: {  	[bflag:$0x0] =	sbarrier.arrive $0xFFFF  }
0x1e2: {  	_ =	strace $0x90000047  }
0x1e3: {  	s31 =	stileid.u32;
	[bflag:$0x2] =	sbarrier.arrive $0xFFFF  }
0x1e4: {  	p0 =	sne.s32 s31, $0x0;
	s0 =	rddreg [dreg:$0x2]  }
0x1e5: {  	s0 =	sadd.s32 @!p0 $0x100000, s0  }
0x1e6: {  	[sflag:s0] =	ssyncadd.tile.s32 @!p0 $0x1;
	_ =	shalt  }
.LBB2_6:
0x1e7: {  	s6 =	sld [smem:$0x7E5];
	s21 =	simm.s32 $0xC900;
	s22 =	simm.s32 $0xD900  }
0x1e8: {  	s23 =	simm.s32 $0xE900;
	s24 =	simm.s32 $0xF900;
	s25 =	simm.s32 $0x10900  }
.Ltmp3:
0x1e9: {  	s26 =	simm.s32 $0x11900;
	s28 =	simm.s32 $0x12900;
	(pc) =	sbr.rel .LBB2_5-.Ltmp3, $4  }
0x1ea: {  	s29 =	simm.s32 $0x13900;
	s7 =	simm.s32 $0x14900;
	s8 =	simm.s32 $0x2900  }
0x1eb: {  	s9 =	simm.s32 $0x3900;
	s10 =	simm.s32 $0x4900;
	s30 =	simm.s32 $0x5900  }
0x1ec: {  	s11 =	simm.s32 $0x6900;
	s12 =	simm.s32 $0x7900;
	s13 =	simm.s32 $0x8900  }
0x1ed: {  	s14 =	simm.s32 $0x9900;
	s16 =	simm.s32 $0xA900;
	s31 =	simm.s32 $0x5  }
.Lfunc_end2:
_tile_overlayer_lowered:
.L_overlay_start_2:
0x1ee: {  	(tag) =	ssettag $0x2  }
0x1ef: {  	s0 =	rddreg [dreg:$0x0];
	s2 =	stileid.u32  }
0x1f0: {  	s1 =	rddreg [dreg:$0x1];
	p0 =	sne.s32 s2, $0x0  }
0x1f1: {  	s3 =	rddreg [dreg:$0x2];
	[bflag:$0x3] =	sbarrier.arrive $0xFFFF;
	s2 =	simm.s32 @!p0 $0x1C05  }
0x1f2: {  	[timem:s3], [sflag:s2] =	dma.local @!p0 [hbm:s0], s1  }
0x1f3: {  	s0 =	simm.s32 @!p0 $0x5  }
0x1f4: {  	_ =	swait.ge @!p0 [sflag:s0], s1  }
0x1f5: {  	s1 =	ssub.s32 @!p0 $0x0, s1;
	[sflag:s0] =	ssyncset.done @!p0 $0x0  }
0x1f6: {  	[sflag:s0] =	ssyncadd.s32 @!p0 s1  }
0x1f7: {  	[bflag:$0x3] =	sbarrier.arrive $0xFFFF  }
0x1f8: {  	_ =	shalt  }

</sc_bundles>
